<compile_context>
chip_gen: v7x
topology: tpu7x:2x2x1
jax: 0.10.2.dev20260603
libtpu: 0.0.44.dev20260713+nightly
codegen_flags: <defaults>
</compile_context>

<pallas_src>
import functools
import numpy as np
import jax
import jax.numpy as jnp
from jax import lax
from jax.experimental import pallas as pl
from jax.experimental.pallas import tpu as pltpu
from jax.experimental.pallas import tpu_sc as plsc

K_TOP = 10
NQ = 16384
NELEM = 819200
NC = 2
NS = 16
NW = NC * NS
CH = NELEM // NW
GPW = NQ // NW
W = 8192
PADW = W + 64

_DISC = np.zeros((16,), np.float32)
_DISC[:K_TOP] = 1.0 / np.log2(np.arange(K_TOP) + 2.0)

_MESH = dict(core_axis_name="c", subcore_axis_name="s", num_cores=NC,
             num_subcores=NS)


@functools.partial(
    pl.kernel,
    out_type=jax.ShapeDtypeStruct((NW, NQ), jnp.int32),
    mesh=plsc.VectorSubcoreMesh(**_MESH),
    scratch_types=[
        pltpu.VMEM((CH + 8,), jnp.int32),
        pltpu.VMEM((NQ,), jnp.int32),
    ],
    compiler_params=pltpu.CompilerParams(needs_layout_passes=False),
)
def _phase_a(idx_hbm, out_hbm, buf, fp):
    wid = lax.axis_index("s") * NC + lax.axis_index("c")

    @pl.when(wid == 0)
    def _():
        buf[pl.ds(0, 16)] = jnp.full((16,), -1, jnp.int32)
        pltpu.sync_copy(idx_hbm.at[pl.ds(0, CH)], buf.at[pl.ds(8, CH)])

    @pl.when(wid > 0)
    def _():
        pltpu.sync_copy(idx_hbm.at[pl.ds(wid * CH - 8, CH + 8)], buf)

    filln = jnp.full((16,), NELEM, jnp.int32)

    def init_body(i, c):
        for q in range(4):
            fp[pl.ds(i * 64 + q * 16, 16)] = filln
        return c

    lax.fori_loop(0, NQ // 64, init_body, 0)

    iot = lax.iota(jnp.int32, 16)
    base_pos = wid * CH

    def scan_body(i, c):
        for q in range(4):
            o = i * 64 + q * 16
            v = buf[pl.ds(o + 8, 16)]
            vp = buf[pl.ds(o + 7, 16)]
            m = v != vp
            pos = iot + (base_pos + o)
            plsc.store_scatter(fp, [v], pos, mask=m)
        return c

    lax.fori_loop(0, CH // 64, scan_body, 0)

    pltpu.sync_copy(fp, out_hbm.at[wid])


@functools.partial(
    pl.kernel,
    out_type=jax.ShapeDtypeStruct((NW, 16), jnp.float32),
    mesh=plsc.VectorSubcoreMesh(**_MESH),
    scratch_types=[
        pltpu.VMEM((GPW + 16,), jnp.int32),
        pltpu.VMEM((NW, GPW), jnp.int32),
        pltpu.VMEM((W + 64,), jnp.int32),
        pltpu.VMEM((W + 64,), jnp.float32),
        pltpu.VMEM((W + 64,), jnp.float32),
        pltpu.VMEM((16,), jnp.float32),
        pltpu.VMEM((16,), jnp.float32),
    ],
    compiler_params=pltpu.CompilerParams(needs_layout_passes=False),
)
def _phase_b(fp_hbm, idx_hbm, prd_hbm, tgt_hbm, disc_hbm, out_hbm,
             minbuf, rowbuf, idxw, prdw, tgtw, discb, outb):
    wid = lax.axis_index("s") * NC + lax.axis_index("c")
    col0 = wid * GPW

    pltpu.sync_copy(disc_hbm, discb)
    disc = discb[...]

    sent = jnp.full((16,), NQ, jnp.int32)
    for q in range(4):
        idxw[pl.ds(W + q * 16, 16)] = sent

    pltpu.sync_copy(fp_hbm.at[:, pl.ds(col0, GPW)], rowbuf)

    def min_outer(k, c):
        sl = pl.ds(k * 16, 16)

        def min_inner(r, m):
            return jnp.minimum(m, rowbuf[r, sl])

        minbuf[sl] = lax.fori_loop(1, NW, min_inner, rowbuf[0, sl])
        return c

    lax.fori_loop(0, GPW // 16, min_outer, 0)

    def bf_body(k, carry):
        cv_, cnt = carry
        kk = (GPW // 16 - 1) - k
        sl = pl.ds(kk * 16, 16)
        m = minbuf[sl]
        cnt = cnt + jnp.where(m < NELEM, 1, 0)
        y = lax.rev(m, (0,))
        z = -plsc.cummax(-y)
        sfx = lax.rev(z, (0,))
        out = jnp.minimum(sfx, cv_)
        minbuf[sl] = out
        return (jnp.zeros((16,), jnp.int32) + out[0], cnt)

    _, cntv = lax.fori_loop(
        0, GPW // 16, bf_body,
        (jnp.full((16,), NELEM, jnp.int32), jnp.zeros((16,), jnp.int32)))

    iot = lax.iota(jnp.int32, 16)

    def _pmax(adk, adv, bak, bav):
        t = adk >= bak
        return jnp.where(t, adk, bak), jnp.where(t, adv, bav)

    def _top16_64(ks, vs, final_desc):
        a1k, a1v = plsc.sort_key_val(ks[0], vs[0], descending=False)
        d2k, d2v = plsc.sort_key_val(ks[1], vs[1], descending=True)
        a3k, a3v = plsc.sort_key_val(ks[2], vs[2], descending=False)
        d4k, d4v = plsc.sort_key_val(ks[3], vs[3], descending=True)
        mk, mv = _pmax(d2k, d2v, a1k, a1v)
        t12k, t12v = plsc.sort_key_val(mk, mv, descending=False)
        mk2, mv2 = _pmax(d4k, d4v, a3k, a3v)
        t34k, t34v = plsc.sort_key_val(mk2, mv2, descending=True)
        mk3, mv3 = _pmax(t34k, t34v, t12k, t12v)
        return plsc.sort_key_val(mk3, mv3, descending=final_desc)

    def _top16k_64(ks, final_desc):
        a1 = plsc.sort_key_val(ks[0], ks[0], descending=False)[0]
        d2 = plsc.sort_key_val(ks[1], ks[1], descending=True)[0]
        a3 = plsc.sort_key_val(ks[2], ks[2], descending=False)[0]
        d4 = plsc.sort_key_val(ks[3], ks[3], descending=True)[0]
        m = jnp.maximum(d2, a1)
        t12 = plsc.sort_key_val(m, m, descending=False)[0]
        m2 = jnp.maximum(d4, a3)
        t34 = plsc.sort_key_val(m2, m2, descending=True)[0]
        m3 = jnp.maximum(t34, t12)
        return plsc.sort_key_val(m3, m3, descending=final_desc)[0]

    def ensure(b, p):
        need = jnp.logical_or(p < b, p + 64 > b + W)

        def reload(_):
            nb = jnp.minimum((p // 8) * 8, NELEM - W)
            pltpu.sync_copy(idx_hbm.at[pl.ds(nb, W)], idxw.at[pl.ds(0, W)])
            pltpu.sync_copy(prd_hbm.at[pl.ds(nb, W)], prdw.at[pl.ds(0, W)])
            pltpu.sync_copy(tgt_hbm.at[pl.ds(nb, W)], tgtw.at[pl.ds(0, W)])
            return nb

        return lax.cond(need, reload, lambda _: b, 0)

    def load64(off, g):
        vi = [idxw[pl.ds(off + 16 * q, 16)] for q in range(4)]
        pv = [prdw[pl.ds(off + 16 * q, 16)] for q in range(4)]
        tv = [tgtw[pl.ds(off + 16 * q, 16)] for q in range(4)]
        va = [v == g for v in vi]
        ck = [jnp.where(va[q], pv[q], -1.0) for q in range(4)]
        cv = [jnp.where(va[q], tv[q], 0.0) for q in range(4)]
        ki = [jnp.where(va[q], tv[q], -1.0) for q in range(4)]
        cont = vi[3][15] == g
        return ck, cv, ki, cont

    def cond_fn(st):
        return st[0]

    def make_tail(g):
        def body_fn(st):
            _, p, b2, ak2, av2, ai2 = st
            b2 = ensure(b2, p)
            ck2, cv2, ki2, cont2 = load64(p - b2, g)
            xk, xv = _top16_64(ck2, cv2, False)
            mk, mv = _pmax(ak2, av2, xk, xv)
            ak2, av2 = plsc.sort_key_val(mk, mv, descending=True)
            xi = _top16k_64(ki2, False)
            mi = jnp.maximum(ai2, xi)
            ai2 = plsc.sort_key_val(mi, mi, descending=True)[0]
            return (cont2, p + 64, b2, ak2, av2, ai2)

        return body_fn

    def finalize(ak, av, ai):
        dcg_v = lax.cumsum(av * disc, axis=0)
        idcg_v = lax.cumsum(jnp.maximum(ai, 0.0) * disc, axis=0)
        safe_v = jnp.where(idcg_v > 0.0, idcg_v, 1.0)
        nd_v = jnp.where(idcg_v > 0.0, dcg_v / safe_v, 0.0)
        return nd_v[15]

    def group_body(jj, carry):
        b, snd = carry
        sv = minbuf[pl.ds(jj * 2, 16)]
        s0 = sv[0]
        s1 = sv[1]
        g0 = col0 + jj * 2
        g1 = g0 + 1
        b = ensure(b, s0)
        ck0, cv0, ki0, c0 = load64(s0 - b, g0)
        b = ensure(b, s1)
        ck1, cv1, ki1, c1 = load64(s1 - b, g1)
        ak0, av0 = _top16_64(ck0, cv0, True)
        ai0 = _top16k_64(ki0, True)
        ak1, av1 = _top16_64(ck1, cv1, True)
        ai1 = _top16k_64(ki1, True)
        st0 = lax.while_loop(cond_fn, make_tail(g0),
                             (c0, s0 + 64, b, ak0, av0, ai0))
        _, _, b, ak0, av0, ai0 = st0
        st1 = lax.while_loop(cond_fn, make_tail(g1),
                             (c1, s1 + 64, b, ak1, av1, ai1))
        _, _, b, ak1, av1, ai1 = st1
        snd = snd + finalize(ak0, av0, ai0) + finalize(ak1, av1, ai1)
        return (b, snd)

    base0 = jnp.int32(-2 * W)
    _, snd = lax.fori_loop(0, GPW // 2, group_body, (base0, jnp.float32(0.0)))

    prs = lax.cumsum(cntv, axis=0)[15].astype(jnp.float32)
    outb[...] = jnp.where(iot == 0, snd, jnp.where(iot == 1, prs, 0.0))
    pltpu.sync_copy(outb, out_hbm.at[wid])


_BCE_ROWS = 6400
_BCE_BR = 256


def _bce_body(p_ref, t_ref, o_ref):
    i = pl.program_id(0)
    eps = 1e-7
    p = jnp.clip(p_ref[...], eps, 1.0 - eps)
    t = t_ref[...]
    s = jnp.sum(t * jnp.log(p) + (1.0 - t) * jnp.log(1.0 - p))

    @pl.when(i == 0)
    def _():
        o_ref[0, 0] = s

    @pl.when(i > 0)
    def _():
        o_ref[0, 0] = o_ref[0, 0] + s


def _bce_tc(p2, t2):
    return pl.pallas_call(
        _bce_body,
        grid=(_BCE_ROWS // _BCE_BR,),
        in_specs=[
            pl.BlockSpec((_BCE_BR, 128), lambda i: (i, 0)),
            pl.BlockSpec((_BCE_BR, 128), lambda i: (i, 0)),
        ],
        out_specs=pl.BlockSpec(memory_space=pltpu.SMEM),
        out_shape=jax.ShapeDtypeStruct((1, 1), jnp.float32),
    )(p2, t2)


@jax.jit
def kernel(predictions, targets, indexes):
    idx = indexes.astype(jnp.int32)
    fp = _phase_a(idx)
    parts = _phase_b(fp, idx, predictions, targets, jnp.asarray(_DISC))
    bce = _bce_tc(predictions.reshape(_BCE_ROWS, 128),
                  targets.reshape(_BCE_ROWS, 128))[0, 0]
    xe = -bce / NELEM
    snd = jnp.sum(parts[:, 0])
    prs = jnp.sum(parts[:, 1])
    ndcg = snd / jnp.maximum(prs, 1.0)
    return xe * (1.0 - ndcg)

# --- scband reference (transcript-rebuilt; emitter-appended) ---
"""Pipeline reference for scband-xendcgloss-80058190397510 (READ-ONLY COPY).

The authoritative reference and input builder live on the scoring server;
editing this copy changes nothing except your own understanding.
"""

import jax, jax.numpy as jnp
import numpy as np

K = 10
NUM_Q = 16384
N = 819200


def setup_inputs(seed: int = 0) -> dict:
    key = jax.random.key(seed)
    k1, k2, k3 = jax.random.split(key, 3)
    predictions = jax.random.uniform(k1, (N,), dtype=jnp.float32)
    targets = jax.random.uniform(k2, (N,), dtype=jnp.float32)
    indexes = jnp.sort(jax.random.randint(k3, (N,), 0, NUM_Q, dtype=jnp.int32))
    return {"predictions": predictions, "targets": targets, "indexes": indexes}


def _ndcg_at_k(predictions, targets, indexes, num_q, k):
    n = predictions.shape[0]
    # group sizes and start offsets (indexes are sorted / grouped)
    counts = jnp.bincount(indexes, length=num_q)
    starts = jnp.cumsum(counts) - counts
    # within-group rank of each position after per-group sort
    rank = jnp.arange(n) - starts[indexes]
    disc = 1.0 / jnp.log2(rank.astype(jnp.float32) + 2.0)
    valid = rank < k
    # sort by (index asc, prediction desc); grouping preserved since indexes already sorted
    order = jnp.lexsort((-predictions, indexes))
    sorted_t = targets[order]
    dcg = jax.ops.segment_sum(jnp.where(valid, sorted_t * disc, 0.0), indexes, num_segments=num_q)
    # ideal ordering: sort targets desc within each group
    order_i = jnp.lexsort((-targets, indexes))
    ideal_t = targets[order_i]
    idcg = jax.ops.segment_sum(jnp.where(valid, ideal_t * disc, 0.0), indexes, num_segments=num_q)
    safe_idcg = jnp.where(idcg > 0, idcg, 1.0)
    ndcg = jnp.where(idcg > 0, dcg / safe_idcg, 0.0)
    present = counts > 0
    return jnp.sum(jnp.where(present, ndcg, 0.0)) / jnp.maximum(jnp.sum(present), 1).astype(jnp.float32)


def reference(predictions, targets, indexes):
    eps = 1e-7
    p = jnp.clip(predictions, eps, 1.0 - eps)
    xe_loss = -jnp.mean(targets * jnp.log(p) + (1.0 - targets) * jnp.log(1.0 - p))
    ndcg_score = _ndcg_at_k(predictions, targets, indexes, NUM_Q, K)
    loss = xe_loss * (1.0 - ndcg_score)
    return loss

if __name__ == "__main__":
    import jax
    _d = setup_inputs()
    print(jax.jit(kernel)(*tuple(_d.values())))

</pallas_src>

<mosaic_0001>
#map = affine_map<(d0, d1) -> (0, 0)>
#map1 = affine_map<(d0, d1) -> (0)>
module attributes {stable_mosaic.version = 14 : i64} {
  func.func @_phase_b(%arg0: i32, %arg1: i32, %arg2: memref<32x16384xi32, #tpu.memory_space<hbm>>, %arg3: memref<819200xi32, #tpu.memory_space<hbm>>, %arg4: memref<819200xf32, #tpu.memory_space<hbm>>, %arg5: memref<819200xf32, #tpu.memory_space<hbm>>, %arg6: memref<16xf32, #tpu.memory_space<hbm>>, %arg7: memref<32x16xf32, #tpu.memory_space<hbm>>, %arg8: memref<528xi32, #tpu.memory_space<vmem>>, %arg9: memref<32x512xi32, #tpu.memory_space<vmem>>, %arg10: memref<8256xi32, #tpu.memory_space<vmem>>, %arg11: memref<8256xf32, #tpu.memory_space<vmem>>, %arg12: memref<8256xf32, #tpu.memory_space<vmem>>, %arg13: memref<16xf32, #tpu.memory_space<vmem>>, %arg14: memref<16xf32, #tpu.memory_space<vmem>>) attributes {dimension_semantics = [#tpu.dimension_semantics<core_parallel>, #tpu.dimension_semantics<subcore_parallel>], iteration_bounds = array<i64: 2, 16>, scalar_prefetch = 0 : i64, scratch_operands = 7 : i64, tpu.core_type = #tpu.core_type<sc_vector_subcore>, window_params = [{transform_indices = #map}, {transform_indices = #map1}, {transform_indices = #map1}, {transform_indices = #map1}, {transform_indices = #map1}, {transform_indices = #map}]} {
    %mul3A = arith.constant 2 : i32
    %mul3A_0 = arith.muli %arg1, %mul3A : i32
    %add3A = arith.addi %mul3A_0, %arg0 : i32
    %mul3A_1 = arith.constant 512 : i32
    %mul3A_2 = arith.muli %add3A, %mul3A_1 : i32
    "tpu.region"() ({
      %run_scoped3A = tpu.sem_alloc : memref<!tpu.dma_semaphore, #tpu.memory_space<semaphore_mem>>
      tpu.enqueue_dma source(%arg6 : memref<16xf32, #tpu.memory_space<hbm>>) target(%arg13 : memref<16xf32, #tpu.memory_space<vmem>>) target_semaphore(%run_scoped3A : memref<!tpu.dma_semaphore, #tpu.memory_space<semaphore_mem>>)
      tpu.wait_dma2 semaphore(%run_scoped3A : memref<!tpu.dma_semaphore, #tpu.memory_space<semaphore_mem>>) src(%arg6 : memref<16xf32, #tpu.memory_space<hbm>>) dst(%arg13 : memref<16xf32, #tpu.memory_space<vmem>>)
      tpu.yield
    }) : () -> ()
    %get3A = arith.constant 0 : index
    %get3A_3 = tpu.vector_load %arg13[%get3A] {strides = array<i32>} : memref<16xf32, #tpu.memory_space<vmem>>, vector<16xf32>,
    %broadcast_in_dim3A = arith.constant 16384 : i32
    %broadcast_in_dim3A_4 = vector.broadcast %broadcast_in_dim3A : i32 to vector<16xi32>
    %swap3A = arith.constant 8192 : index
    %swap3A_5 = tpu.vector_load %arg10[%swap3A] {strides = array<i32>} : memref<8256xi32, #tpu.memory_space<vmem>>, vector<16xi32>,
    tpu.vector_store %arg10[%swap3A], %broadcast_in_dim3A_4 {strides = array<i32>} : memref<8256xi32, #tpu.memory_space<vmem>>, vector<16xi32>,
    %swap3A_6 = arith.constant 8208 : index
    %swap3A_7 = tpu.vector_load %arg10[%swap3A_6] {strides = array<i32>} : memref<8256xi32, #tpu.memory_space<vmem>>, vector<16xi32>,
    tpu.vector_store %arg10[%swap3A_6], %broadcast_in_dim3A_4 {strides = array<i32>} : memref<8256xi32, #tpu.memory_space<vmem>>, vector<16xi32>,
    %swap3A_8 = arith.constant 8224 : index
    %swap3A_9 = tpu.vector_load %arg10[%swap3A_8] {strides = array<i32>} : memref<8256xi32, #tpu.memory_space<vmem>>, vector<16xi32>,
    tpu.vector_store %arg10[%swap3A_8], %broadcast_in_dim3A_4 {strides = array<i32>} : memref<8256xi32, #tpu.memory_space<vmem>>, vector<16xi32>,
    %swap3A_10 = arith.constant 8240 : index
    %swap3A_11 = tpu.vector_load %arg10[%swap3A_10] {strides = array<i32>} : memref<8256xi32, #tpu.memory_space<vmem>>, vector<16xi32>,
    tpu.vector_store %arg10[%swap3A_10], %broadcast_in_dim3A_4 {strides = array<i32>} : memref<8256xi32, #tpu.memory_space<vmem>>, vector<16xi32>,
    "tpu.region"() ({
      %run_scoped3A = tpu.sem_alloc : memref<!tpu.dma_semaphore, #tpu.memory_space<semaphore_mem>>
      %dma_start3A = arith.constant 0 : i32
      %dma_start3A_48 = tpu.memref_slice %arg2[%dma_start3A, %mul3A_2] : memref<32x16384xi32, #tpu.memory_space<hbm>> -> memref<32x512xi32, #tpu.memory_space<hbm>>
      %dma_start3A_49 = arith.constant 0 : i32
      %dma_start3A_50 = tpu.memref_slice %arg2[%dma_start3A_49, %mul3A_2] : memref<32x16384xi32, #tpu.memory_space<hbm>> -> memref<32x512xi32, #tpu.memory_space<hbm>>
      tpu.enqueue_dma source(%dma_start3A_50 : memref<32x512xi32, #tpu.memory_space<hbm>>) target(%arg9 : memref<32x512xi32, #tpu.memory_space<vmem>>) target_semaphore(%run_scoped3A : memref<!tpu.dma_semaphore, #tpu.memory_space<semaphore_mem>>)
      %dma_wait3A = arith.constant 0 : i32
      %dma_wait3A_51 = tpu.memref_slice %arg2[%dma_wait3A, %mul3A_2] : memref<32x16384xi32, #tpu.memory_space<hbm>> -> memref<32x512xi32, #tpu.memory_space<hbm>>
      %dma_wait3A_52 = arith.constant 0 : i32
      %dma_wait3A_53 = tpu.memref_slice %arg2[%dma_wait3A_52, %mul3A_2] : memref<32x16384xi32, #tpu.memory_space<hbm>> -> memref<32x512xi32, #tpu.memory_space<hbm>>
      tpu.wait_dma2 semaphore(%run_scoped3A : memref<!tpu.dma_semaphore, #tpu.memory_space<semaphore_mem>>) src(%dma_wait3A_53 : memref<32x512xi32, #tpu.memory_space<hbm>>) dst(%arg9 : memref<32x512xi32, #tpu.memory_space<vmem>>)
      tpu.yield
    }) : () -> ()
    %scan3A = arith.constant 0 : i32
    %scan3A_12 = arith.constant 0 : i32
    %scan3A_13 = arith.constant 32 : i32
    %scan3A_14 = arith.addi %scan3A_12, %scan3A_13 : i32
    %scan3A_15 = arith.constant 1 : i32
    scf.for %scan3A_48 = %scan3A_12 to %scan3A_14 step %scan3A_15  : i32 {
      %mul3A_49 = arith.constant 16 : i32
      %mul3A_50 = arith.muli %scan3A_48, %mul3A_49 : i32
      %get3A_51 = arith.constant 0 : i32
      %get3A_52 = arith.index_cast %get3A_51 : i32 to index
      %get3A_53 = arith.index_cast %mul3A_50 : i32 to index
      %get3A_54 = tpu.vector_load %arg9[%get3A_52, %get3A_53] {strides = array<i32>} : memref<32x512xi32, #tpu.memory_space<vmem>>, vector<16xi32>,
      %scan3A_55 = arith.constant 1 : i32
      %scan3A_56 = arith.constant 31 : i32
      %scan3A_57 = arith.addi %scan3A_55, %scan3A_56 : i32
      %scan3A_58 = arith.constant 1 : i32
      %scan3A_59 = scf.for %scan3A_63 = %scan3A_55 to %scan3A_57 step %scan3A_58 iter_args(%scan3A_64 = %get3A_54) -> (vector<16xi32>)  : i32 {
        %get3A_65 = arith.index_cast %scan3A_63 : i32 to index
        %get3A_66 = arith.index_cast %mul3A_50 : i32 to index
        %get3A_67 = tpu.vector_load %arg9[%get3A_65, %get3A_66] {strides = array<i32>} : memref<32x512xi32, #tpu.memory_space<vmem>>, vector<16xi32>,
        %min3A = arith.minsi %scan3A_64, %get3A_67 : vector<16xi32>
        scf.yield %min3A : vector<16xi32>
      }
      %scan3A_60 = arith.constant 31 : i32
      %swap3A_61 = arith.index_cast %mul3A_50 : i32 to index
      %swap3A_62 = tpu.vector_load %arg8[%swap3A_61] {strides = array<i32>} : memref<528xi32, #tpu.memory_space<vmem>>, vector<16xi32>,
      tpu.vector_store %arg8[%swap3A_61], %scan3A_59 {strides = array<i32>} : memref<528xi32, #tpu.memory_space<vmem>>, vector<16xi32>,
    }
    %scan3A_16 = arith.constant 32 : i32
    %broadcast_in_dim3A_17 = arith.constant 819200 : i32
    %broadcast_in_dim3A_18 = vector.broadcast %broadcast_in_dim3A_17 : i32 to vector<16xi32>
    %broadcast_in_dim3A_19 = arith.constant 0 : i32
    %broadcast_in_dim3A_20 = vector.broadcast %broadcast_in_dim3A_19 : i32 to vector<16xi32>
    %scan3A_21 = arith.constant 0 : i32
    %scan3A_22 = arith.constant 32 : i32
    %scan3A_23 = arith.addi %scan3A_21, %scan3A_22 : i32
    %scan3A_24 = arith.constant 1 : i32
    %scan3A_25:2 = scf.for %scan3A_48 = %scan3A_21 to %scan3A_23 step %scan3A_24 iter_args(%scan3A_49 = %broadcast_in_dim3A_18, %scan3A_50 = %broadcast_in_dim3A_20) -> (vector<16xi32>, vector<16xi32>)  : i32 {
      %sub3A = arith.constant 31 : i32
      %sub3A_51 = arith.subi %sub3A, %scan3A_48 : i32
      %mul3A_52 = arith.constant 16 : i32
      %mul3A_53 = arith.muli %sub3A_51, %mul3A_52 : i32
      %get3A_54 = arith.index_cast %mul3A_53 : i32 to index
      %get3A_55 = tpu.vector_load %arg8[%get3A_54] {strides = array<i32>} : memref<528xi32, #tpu.memory_space<vmem>>, vector<16xi32>,
      %lt3A = arith.constant 819200 : i32
      %lt3A_56 = vector.broadcast %lt3A : i32 to vector<16xi32>
      %lt3A_57 = arith.cmpi slt, %get3A_55, %lt3A_56 : vector<16xi32>
      %jit3A_58 = arith.constant 1 : i32
      %jit3A_59 = arith.constant 0 : i32
      %broadcast_in_dim3A_60 = vector.broadcast %jit3A_58 : i32 to vector<16xi32>
      %broadcast_in_dim3A_61 = vector.broadcast %jit3A_59 : i32 to vector<16xi32>
      %select_n3A_62 = arith.select %lt3A_57, %broadcast_in_dim3A_60, %broadcast_in_dim3A_61 : vector<16xi1>, vector<16xi32>
      %add3A_63 = arith.addi %scan3A_50, %select_n3A_62 : vector<16xi32>
      %rev3A = arith.constant 15 : i32
      %rev3A_64 = vector.broadcast %rev3A : i32 to vector<16xi32>
      %rev3A_65 = tpu.iota {dimensions = array<i32: 0>} : vector<16xi32>
      %rev3A_66 = arith.subi %rev3A_64, %rev3A_65 : vector<16xi32>
      %rev3A_67 = tpu.dynamic_gather %get3A_55[%rev3A_66] in [0] : vector<16xi32>, vector<16xi32> -> vector<16xi32>
      %neg3A = arith.constant 0 : i32
      %neg3A_68 = vector.broadcast %neg3A : i32 to vector<16xi32>
      %neg3A_69 = arith.subi %neg3A_68, %rev3A_67 : vector<16xi32>
      %broadcast_in_dim3A_70 = arith.constant true
      %broadcast_in_dim3A_71 = vector.broadcast %broadcast_in_dim3A_70 : i1 to vector<16xi1>
      %masked_cummax3A = arith.constant -2147483648 : i32
      %masked_cummax3A_72 = vector.broadcast %masked_cummax3A : i32 to vector<16xi32>
      %masked_cummax3A_73 = arith.xori %neg3A_69, %masked_cummax3A_72 : vector<16xi32>
      %masked_cummax3A_74 = tpu.scan <max>, %masked_cummax3A_73 masked %broadcast_in_dim3A_71 : vector<16xi32>, vector<16xi1> -> vector<16xi32>
      %masked_cummax3A_75 = arith.xori %masked_cummax3A_74, %masked_cummax3A_72 : vector<16xi32>
      %neg3A_76 = arith.constant 0 : i32
      %neg3A_77 = vector.broadcast %neg3A_76 : i32 to vector<16xi32>
      %neg3A_78 = arith.subi %neg3A_77, %masked_cummax3A_75 : vector<16xi32>
      %rev3A_79 = arith.constant 15 : i32
      %rev3A_80 = vector.broadcast %rev3A_79 : i32 to vector<16xi32>
      %rev3A_81 = tpu.iota {dimensions = array<i32: 0>} : vector<16xi32>
      %rev3A_82 = arith.subi %rev3A_80, %rev3A_81 : vector<16xi32>
      %rev3A_83 = tpu.dynamic_gather %neg3A_78[%rev3A_82] in [0] : vector<16xi32>, vector<16xi32> -> vector<16xi32>
      %min3A = arith.minsi %rev3A_83, %scan3A_49 : vector<16xi32>
      %swap3A_84 = arith.index_cast %mul3A_53 : i32 to index
      %swap3A_85 = tpu.vector_load %arg8[%swap3A_84] {strides = array<i32>} : memref<528xi32, #tpu.memory_space<vmem>>, vector<16xi32>,
      tpu.vector_store %arg8[%swap3A_84], %min3A {strides = array<i32>} : memref<528xi32, #tpu.memory_space<vmem>>, vector<16xi32>,
      %broadcast_in_dim3A_86 = arith.constant 0 : i32
      %broadcast_in_dim3A_87 = vector.broadcast %broadcast_in_dim3A_86 : i32 to vector<16xi32>
      %slice3A_88 = vector.extract_strided_slice %min3A {offsets = [0], sizes = [1], strides = [1]} : vector<16xi32> to vector<1xi32>
      %squeeze3A_89 = vector.extract %slice3A_88[0] : i32 from vector<1xi32>
      %add3A_90 = vector.broadcast %squeeze3A_89 : i32 to vector<16xi32>
      %add3A_91 = arith.addi %broadcast_in_dim3A_87, %add3A_90 : vector<16xi32>
      scf.yield %add3A_91, %add3A_63 : vector<16xi32>, vector<16xi32>
    }
    %scan3A_26 = arith.constant 32 : i32
    %iota3A = tpu.iota {dimensions = array<i32: 0>} : vector<16xi32>
    %scan3A_27 = arith.constant -16384 : i32
    %scan3A_28 = arith.constant 0.000000e+00 : f32
    %scan3A_29 = arith.constant 0 : i32
    %scan3A_30 = arith.constant 256 : i32
    %scan3A_31 = arith.addi %scan3A_29, %scan3A_30 : i32
    %scan3A_32 = arith.constant 1 : i32
    %scan3A_33:2 = scf.for %scan3A_48 = %scan3A_29 to %scan3A_31 step %scan3A_32 iter_args(%scan3A_49 = %scan3A_27, %scan3A_50 = %scan3A_28) -> (i32, f32)  : i32 {
      %mul3A_51 = arith.constant 2 : i32
      %mul3A_52 = arith.muli %scan3A_48, %mul3A_51 : i32
      %get3A_53 = arith.index_cast %mul3A_52 : i32 to index
      %get3A_54 = tpu.vector_load %arg8[%get3A_53] {strides = array<i32>} : memref<528xi32, #tpu.memory_space<vmem>>, vector<16xi32>,
      %slice3A_55 = vector.extract_strided_slice %get3A_54 {offsets = [0], sizes = [1], strides = [1]} : vector<16xi32> to vector<1xi32>
      %squeeze3A_56 = vector.extract %slice3A_55[0] : i32 from vector<1xi32>
      %slice3A_57 = vector.extract_strided_slice %get3A_54 {offsets = [1], sizes = [1], strides = [1]} : vector<16xi32> to vector<1xi32>
      %squeeze3A_58 = vector.extract %slice3A_57[0] : i32 from vector<1xi32>
      %mul3A_59 = arith.constant 2 : i32
      %mul3A_60 = arith.muli %scan3A_48, %mul3A_59 : i32
      %add3A_61 = arith.addi %mul3A_2, %mul3A_60 : i32
      %add3A_62 = arith.constant 1 : i32
      %add3A_63 = arith.addi %add3A_61, %add3A_62 : i32
      %lt3A = arith.cmpi slt, %squeeze3A_56, %scan3A_49 : i32
      %add3A_64 = arith.constant 64 : i32
      %add3A_65 = arith.addi %squeeze3A_56, %add3A_64 : i32
      %add3A_66 = arith.constant 8192 : i32
      %add3A_67 = arith.addi %scan3A_49, %add3A_66 : i32
      %gt3A = arith.cmpi sgt, %add3A_65, %add3A_67 : i32
      %or3A = arith.ori %lt3A, %gt3A : i1
      %convert_element_type3A_68 = arith.extui %or3A : i1 to i32
      %cond3A = arith.constant 0 : i32
      %cond3A_69 = arith.constant 0 : i32
      %cond3A_70 = arith.cmpi ne, %convert_element_type3A_68, %cond3A_69 : i32
      %cond3A_71 = scf.if %cond3A_70 -> (i32) {
        %jit3A_466 = arith.constant 8 : i32
        %div3A_467 = arith.divsi %squeeze3A_56, %jit3A_466 : i32
        %sign3A = arith.constant 0 : i32
        %sign3A_468 = arith.cmpi sgt, %squeeze3A_56, %sign3A : i32
        %sign3A_469 = arith.extui %sign3A_468 : i1 to i32
        %sign3A_470 = arith.constant 0 : i32
        %sign3A_471 = arith.cmpi slt, %squeeze3A_56, %sign3A_470 : i32
        %sign3A_472 = arith.extui %sign3A_471 : i1 to i32
        %sign3A_473 = arith.subi %sign3A_469, %sign3A_472 : i32
        %sign3A_474 = arith.constant 0 : i32
        %sign3A_475 = arith.cmpi sgt, %jit3A_466, %sign3A_474 : i32
        %sign3A_476 = arith.extui %sign3A_475 : i1 to i32
        %sign3A_477 = arith.constant 0 : i32
        %sign3A_478 = arith.cmpi slt, %jit3A_466, %sign3A_477 : i32
        %sign3A_479 = arith.extui %sign3A_478 : i1 to i32
        %sign3A_480 = arith.subi %sign3A_476, %sign3A_479 : i32
        %ne3A = arith.cmpi ne, %sign3A_473, %sign3A_480 : i32
        %rem3A = arith.remsi %squeeze3A_56, %jit3A_466 : i32
        %ne3A_481 = arith.constant 0 : i32
        %ne3A_482 = arith.cmpi ne, %rem3A, %ne3A_481 : i32
        %and3A = arith.andi %ne3A, %ne3A_482 : i1
        %sub3A_483 = arith.constant 1 : i32
        %sub3A_484 = arith.subi %div3A_467, %sub3A_483 : i32
        %select_n3A_485 = arith.select %and3A, %sub3A_484, %div3A_467 : i32
        %mul3A_486 = arith.constant 8 : i32
        %mul3A_487 = arith.muli %select_n3A_485, %mul3A_486 : i32
        %min3A = arith.constant 811008 : i32
        %min3A_488 = arith.minsi %mul3A_487, %min3A : i32
        "tpu.region"() ({
          %run_scoped3A = tpu.sem_alloc : memref<!tpu.dma_semaphore, #tpu.memory_space<semaphore_mem>>
          %dma_start3A = arith.constant 0 : i32
          %dma_start3A_489 = tpu.memref_slice %arg10[%dma_start3A] : memref<8256xi32, #tpu.memory_space<vmem>> -> memref<8192xi32, #tpu.memory_space<vmem>>
          %dma_start3A_490 = tpu.memref_slice %arg3[%min3A_488] : memref<819200xi32, #tpu.memory_space<hbm>> -> memref<8192xi32, #tpu.memory_space<hbm>>
          %dma_start3A_491 = arith.constant 0 : i32
          %dma_start3A_492 = tpu.memref_slice %arg10[%dma_start3A_491] : memref<8256xi32, #tpu.memory_space<vmem>> -> memref<8192xi32, #tpu.memory_space<vmem>>
          %dma_start3A_493 = tpu.memref_slice %arg3[%min3A_488] : memref<819200xi32, #tpu.memory_space<hbm>> -> memref<8192xi32, #tpu.memory_space<hbm>>
          tpu.enqueue_dma source(%dma_start3A_493 : memref<8192xi32, #tpu.memory_space<hbm>>) target(%dma_start3A_492 : memref<8192xi32, #tpu.memory_space<vmem>>) target_semaphore(%run_scoped3A : memref<!tpu.dma_semaphore, #tpu.memory_space<semaphore_mem>>)
          %dma_wait3A = arith.constant 0 : i32
          %dma_wait3A_494 = tpu.memref_slice %arg10[%dma_wait3A] : memref<8256xi32, #tpu.memory_space<vmem>> -> memref<8192xi32, #tpu.memory_space<vmem>>
          %dma_wait3A_495 = tpu.memref_slice %arg3[%min3A_488] : memref<819200xi32, #tpu.memory_space<hbm>> -> memref<8192xi32, #tpu.memory_space<hbm>>
          %dma_wait3A_496 = arith.constant 0 : i32
          %dma_wait3A_497 = tpu.memref_slice %arg10[%dma_wait3A_496] : memref<8256xi32, #tpu.memory_space<vmem>> -> memref<8192xi32, #tpu.memory_space<vmem>>
          %dma_wait3A_498 = tpu.memref_slice %arg3[%min3A_488] : memref<819200xi32, #tpu.memory_space<hbm>> -> memref<8192xi32, #tpu.memory_space<hbm>>
          tpu.wait_dma2 semaphore(%run_scoped3A : memref<!tpu.dma_semaphore, #tpu.memory_space<semaphore_mem>>) src(%dma_wait3A_498 : memref<8192xi32, #tpu.memory_space<hbm>>) dst(%dma_wait3A_497 : memref<8192xi32, #tpu.memory_space<vmem>>)
          tpu.yield
        }) : () -> ()
        "tpu.region"() ({
          %run_scoped3A = tpu.sem_alloc : memref<!tpu.dma_semaphore, #tpu.memory_space<semaphore_mem>>
          %dma_start3A = arith.constant 0 : i32
          %dma_start3A_489 = tpu.memref_slice %arg11[%dma_start3A] : memref<8256xf32, #tpu.memory_space<vmem>> -> memref<8192xf32, #tpu.memory_space<vmem>>
          %dma_start3A_490 = tpu.memref_slice %arg4[%min3A_488] : memref<819200xf32, #tpu.memory_space<hbm>> -> memref<8192xf32, #tpu.memory_space<hbm>>
          %dma_start3A_491 = arith.constant 0 : i32
          %dma_start3A_492 = tpu.memref_slice %arg11[%dma_start3A_491] : memref<8256xf32, #tpu.memory_space<vmem>> -> memref<8192xf32, #tpu.memory_space<vmem>>
          %dma_start3A_493 = tpu.memref_slice %arg4[%min3A_488] : memref<819200xf32, #tpu.memory_space<hbm>> -> memref<8192xf32, #tpu.memory_space<hbm>>
          tpu.enqueue_dma source(%dma_start3A_493 : memref<8192xf32, #tpu.memory_space<hbm>>) target(%dma_start3A_492 : memref<8192xf32, #tpu.memory_space<vmem>>) target_semaphore(%run_scoped3A : memref<!tpu.dma_semaphore, #tpu.memory_space<semaphore_mem>>)
          %dma_wait3A = arith.constant 0 : i32
          %dma_wait3A_494 = tpu.memref_slice %arg11[%dma_wait3A] : memref<8256xf32, #tpu.memory_space<vmem>> -> memref<8192xf32, #tpu.memory_space<vmem>>
          %dma_wait3A_495 = tpu.memref_slice %arg4[%min3A_488] : memref<819200xf32, #tpu.memory_space<hbm>> -> memref<8192xf32, #tpu.memory_space<hbm>>
          %dma_wait3A_496 = arith.constant 0 : i32
          %dma_wait3A_497 = tpu.memref_slice %arg11[%dma_wait3A_496] : memref<8256xf32, #tpu.memory_space<vmem>> -> memref<8192xf32, #tpu.memory_space<vmem>>
          %dma_wait3A_498 = tpu.memref_slice %arg4[%min3A_488] : memref<819200xf32, #tpu.memory_space<hbm>> -> memref<8192xf32, #tpu.memory_space<hbm>>
          tpu.wait_dma2 semaphore(%run_scoped3A : memref<!tpu.dma_semaphore, #tpu.memory_space<semaphore_mem>>) src(%dma_wait3A_498 : memref<8192xf32, #tpu.memory_space<hbm>>) dst(%dma_wait3A_497 : memref<8192xf32, #tpu.memory_space<vmem>>)
          tpu.yield
        }) : () -> ()
        "tpu.region"() ({
          %run_scoped3A = tpu.sem_alloc : memref<!tpu.dma_semaphore, #tpu.memory_space<semaphore_mem>>
          %dma_start3A = arith.constant 0 : i32
          %dma_start3A_489 = tpu.memref_slice %arg12[%dma_start3A] : memref<8256xf32, #tpu.memory_space<vmem>> -> memref<8192xf32, #tpu.memory_space<vmem>>
          %dma_start3A_490 = tpu.memref_slice %arg5[%min3A_488] : memref<819200xf32, #tpu.memory_space<hbm>> -> memref<8192xf32, #tpu.memory_space<hbm>>
          %dma_start3A_491 = arith.constant 0 : i32
          %dma_start3A_492 = tpu.memref_slice %arg12[%dma_start3A_491] : memref<8256xf32, #tpu.memory_space<vmem>> -> memref<8192xf32, #tpu.memory_space<vmem>>
          %dma_start3A_493 = tpu.memref_slice %arg5[%min3A_488] : memref<819200xf32, #tpu.memory_space<hbm>> -> memref<8192xf32, #tpu.memory_space<hbm>>
          tpu.enqueue_dma source(%dma_start3A_493 : memref<8192xf32, #tpu.memory_space<hbm>>) target(%dma_start3A_492 : memref<8192xf32, #tpu.memory_space<vmem>>) target_semaphore(%run_scoped3A : memref<!tpu.dma_semaphore, #tpu.memory_space<semaphore_mem>>)
          %dma_wait3A = arith.constant 0 : i32
          %dma_wait3A_494 = tpu.memref_slice %arg12[%dma_wait3A] : memref<8256xf32, #tpu.memory_space<vmem>> -> memref<8192xf32, #tpu.memory_space<vmem>>
          %dma_wait3A_495 = tpu.memref_slice %arg5[%min3A_488] : memref<819200xf32, #tpu.memory_space<hbm>> -> memref<8192xf32, #tpu.memory_space<hbm>>
          %dma_wait3A_496 = arith.constant 0 : i32
          %dma_wait3A_497 = tpu.memref_slice %arg12[%dma_wait3A_496] : memref<8256xf32, #tpu.memory_space<vmem>> -> memref<8192xf32, #tpu.memory_space<vmem>>
          %dma_wait3A_498 = tpu.memref_slice %arg5[%min3A_488] : memref<819200xf32, #tpu.memory_space<hbm>> -> memref<8192xf32, #tpu.memory_space<hbm>>
          tpu.wait_dma2 semaphore(%run_scoped3A : memref<!tpu.dma_semaphore, #tpu.memory_space<semaphore_mem>>) src(%dma_wait3A_498 : memref<8192xf32, #tpu.memory_space<hbm>>) dst(%dma_wait3A_497 : memref<8192xf32, #tpu.memory_space<vmem>>)
          tpu.yield
        }) : () -> ()
        scf.yield %min3A_488 : i32
      } else {
        scf.yield %scan3A_49 : i32
      }
      %sub3A = arith.subi %squeeze3A_56, %cond3A_71 : i32
      %add3A_72 = arith.constant 0 : i32
      %add3A_73 = arith.addi %sub3A, %add3A_72 : i32
      %get3A_74 = arith.index_cast %add3A_73 : i32 to index
      %get3A_75 = tpu.vector_load %arg10[%get3A_74] {strides = array<i32>} : memref<8256xi32, #tpu.memory_space<vmem>>, vector<16xi32>,
      %add3A_76 = arith.constant 16 : i32
      %add3A_77 = arith.addi %sub3A, %add3A_76 : i32
      %get3A_78 = arith.index_cast %add3A_77 : i32 to index
      %get3A_79 = tpu.vector_load %arg10[%get3A_78] {strides = array<i32>} : memref<8256xi32, #tpu.memory_space<vmem>>, vector<16xi32>,
      %add3A_80 = arith.constant 32 : i32
      %add3A_81 = arith.addi %sub3A, %add3A_80 : i32
      %get3A_82 = arith.index_cast %add3A_81 : i32 to index
      %get3A_83 = tpu.vector_load %arg10[%get3A_82] {strides = array<i32>} : memref<8256xi32, #tpu.memory_space<vmem>>, vector<16xi32>,
      %add3A_84 = arith.constant 48 : i32
      %add3A_85 = arith.addi %sub3A, %add3A_84 : i32
      %get3A_86 = arith.index_cast %add3A_85 : i32 to index
      %get3A_87 = tpu.vector_load %arg10[%get3A_86] {strides = array<i32>} : memref<8256xi32, #tpu.memory_space<vmem>>, vector<16xi32>,
      %add3A_88 = arith.constant 0 : i32
      %add3A_89 = arith.addi %sub3A, %add3A_88 : i32
      %get3A_90 = arith.index_cast %add3A_89 : i32 to index
      %get3A_91 = tpu.vector_load %arg11[%get3A_90] {strides = array<i32>} : memref<8256xf32, #tpu.memory_space<vmem>>, vector<16xf32>,
      %add3A_92 = arith.constant 16 : i32
      %add3A_93 = arith.addi %sub3A, %add3A_92 : i32
      %get3A_94 = arith.index_cast %add3A_93 : i32 to index
      %get3A_95 = tpu.vector_load %arg11[%get3A_94] {strides = array<i32>} : memref<8256xf32, #tpu.memory_space<vmem>>, vector<16xf32>,
      %add3A_96 = arith.constant 32 : i32
      %add3A_97 = arith.addi %sub3A, %add3A_96 : i32
      %get3A_98 = arith.index_cast %add3A_97 : i32 to index
      %get3A_99 = tpu.vector_load %arg11[%get3A_98] {strides = array<i32>} : memref<8256xf32, #tpu.memory_space<vmem>>, vector<16xf32>,
      %add3A_100 = arith.constant 48 : i32
      %add3A_101 = arith.addi %sub3A, %add3A_100 : i32
      %get3A_102 = arith.index_cast %add3A_101 : i32 to index
      %get3A_103 = tpu.vector_load %arg11[%get3A_102] {strides = array<i32>} : memref<8256xf32, #tpu.memory_space<vmem>>, vector<16xf32>,
      %add3A_104 = arith.constant 0 : i32
      %add3A_105 = arith.addi %sub3A, %add3A_104 : i32
      %get3A_106 = arith.index_cast %add3A_105 : i32 to index
      %get3A_107 = tpu.vector_load %arg12[%get3A_106] {strides = array<i32>} : memref<8256xf32, #tpu.memory_space<vmem>>, vector<16xf32>,
      %add3A_108 = arith.constant 16 : i32
      %add3A_109 = arith.addi %sub3A, %add3A_108 : i32
      %get3A_110 = arith.index_cast %add3A_109 : i32 to index
      %get3A_111 = tpu.vector_load %arg12[%get3A_110] {strides = array<i32>} : memref<8256xf32, #tpu.memory_space<vmem>>, vector<16xf32>,
      %add3A_112 = arith.constant 32 : i32
      %add3A_113 = arith.addi %sub3A, %add3A_112 : i32
      %get3A_114 = arith.index_cast %add3A_113 : i32 to index
      %get3A_115 = tpu.vector_load %arg12[%get3A_114] {strides = array<i32>} : memref<8256xf32, #tpu.memory_space<vmem>>, vector<16xf32>,
      %add3A_116 = arith.constant 48 : i32
      %add3A_117 = arith.addi %sub3A, %add3A_116 : i32
      %get3A_118 = arith.index_cast %add3A_117 : i32 to index
      %get3A_119 = tpu.vector_load %arg12[%get3A_118] {strides = array<i32>} : memref<8256xf32, #tpu.memory_space<vmem>>, vector<16xf32>,
      %eq3A_120 = vector.broadcast %add3A_61 : i32 to vector<16xi32>
      %eq3A_121 = arith.cmpi eq, %get3A_75, %eq3A_120 : vector<16xi32>
      %eq3A_122 = vector.broadcast %add3A_61 : i32 to vector<16xi32>
      %eq3A_123 = arith.cmpi eq, %get3A_79, %eq3A_122 : vector<16xi32>
      %eq3A_124 = vector.broadcast %add3A_61 : i32 to vector<16xi32>
      %eq3A_125 = arith.cmpi eq, %get3A_83, %eq3A_124 : vector<16xi32>
      %eq3A_126 = vector.broadcast %add3A_61 : i32 to vector<16xi32>
      %eq3A_127 = arith.cmpi eq, %get3A_87, %eq3A_126 : vector<16xi32>
      %jit3A_128 = arith.constant -1.000000e+00 : f32
      %broadcast_in_dim3A_129 = vector.broadcast %jit3A_128 : f32 to vector<16xf32>
      %select_n3A_130 = arith.select %eq3A_121, %get3A_91, %broadcast_in_dim3A_129 : vector<16xi1>, vector<16xf32>
      %jit3A_131 = arith.constant -1.000000e+00 : f32
      %broadcast_in_dim3A_132 = vector.broadcast %jit3A_131 : f32 to vector<16xf32>
      %select_n3A_133 = arith.select %eq3A_123, %get3A_95, %broadcast_in_dim3A_132 : vector<16xi1>, vector<16xf32>
      %jit3A_134 = arith.constant -1.000000e+00 : f32
      %broadcast_in_dim3A_135 = vector.broadcast %jit3A_134 : f32 to vector<16xf32>
      %select_n3A_136 = arith.select %eq3A_125, %get3A_99, %broadcast_in_dim3A_135 : vector<16xi1>, vector<16xf32>
      %jit3A_137 = arith.constant -1.000000e+00 : f32
      %broadcast_in_dim3A_138 = vector.broadcast %jit3A_137 : f32 to vector<16xf32>
      %select_n3A_139 = arith.select %eq3A_127, %get3A_103, %broadcast_in_dim3A_138 : vector<16xi1>, vector<16xf32>
      %jit3A_140 = arith.constant 0.000000e+00 : f32
      %broadcast_in_dim3A_141 = vector.broadcast %jit3A_140 : f32 to vector<16xf32>
      %select_n3A_142 = arith.select %eq3A_121, %get3A_107, %broadcast_in_dim3A_141 : vector<16xi1>, vector<16xf32>
      %jit3A_143 = arith.constant 0.000000e+00 : f32
      %broadcast_in_dim3A_144 = vector.broadcast %jit3A_143 : f32 to vector<16xf32>
      %select_n3A_145 = arith.select %eq3A_123, %get3A_111, %broadcast_in_dim3A_144 : vector<16xi1>, vector<16xf32>
      %jit3A_146 = arith.constant 0.000000e+00 : f32
      %broadcast_in_dim3A_147 = vector.broadcast %jit3A_146 : f32 to vector<16xf32>
      %select_n3A_148 = arith.select %eq3A_125, %get3A_115, %broadcast_in_dim3A_147 : vector<16xi1>, vector<16xf32>
      %jit3A_149 = arith.constant 0.000000e+00 : f32
      %broadcast_in_dim3A_150 = vector.broadcast %jit3A_149 : f32 to vector<16xf32>
      %select_n3A_151 = arith.select %eq3A_127, %get3A_119, %broadcast_in_dim3A_150 : vector<16xi1>, vector<16xf32>
      %jit3A_152 = arith.constant -1.000000e+00 : f32
      %broadcast_in_dim3A_153 = vector.broadcast %jit3A_152 : f32 to vector<16xf32>
      %select_n3A_154 = arith.select %eq3A_121, %get3A_107, %broadcast_in_dim3A_153 : vector<16xi1>, vector<16xf32>
      %jit3A_155 = arith.constant -1.000000e+00 : f32
      %broadcast_in_dim3A_156 = vector.broadcast %jit3A_155 : f32 to vector<16xf32>
      %select_n3A_157 = arith.select %eq3A_123, %get3A_111, %broadcast_in_dim3A_156 : vector<16xi1>, vector<16xf32>
      %jit3A_158 = arith.constant -1.000000e+00 : f32
      %broadcast_in_dim3A_159 = vector.broadcast %jit3A_158 : f32 to vector<16xf32>
      %select_n3A_160 = arith.select %eq3A_125, %get3A_115, %broadcast_in_dim3A_159 : vector<16xi1>, vector<16xf32>
      %jit3A_161 = arith.constant -1.000000e+00 : f32
      %broadcast_in_dim3A_162 = vector.broadcast %jit3A_161 : f32 to vector<16xf32>
      %select_n3A_163 = arith.select %eq3A_127, %get3A_119, %broadcast_in_dim3A_162 : vector<16xi1>, vector<16xf32>
      %slice3A_164 = vector.extract_strided_slice %get3A_87 {offsets = [15], sizes = [1], strides = [1]} : vector<16xi32> to vector<1xi32>
      %squeeze3A_165 = vector.extract %slice3A_164[0] : i32 from vector<1xi32>
      %eq3A_166 = arith.cmpi eq, %squeeze3A_165, %add3A_61 : i32
      %lt3A_167 = arith.cmpi slt, %squeeze3A_58, %cond3A_71 : i32
      %add3A_168 = arith.constant 64 : i32
      %add3A_169 = arith.addi %squeeze3A_58, %add3A_168 : i32
      %add3A_170 = arith.constant 8192 : i32
      %add3A_171 = arith.addi %cond3A_71, %add3A_170 : i32
      %gt3A_172 = arith.cmpi sgt, %add3A_169, %add3A_171 : i32
      %or3A_173 = arith.ori %lt3A_167, %gt3A_172 : i1
      %convert_element_type3A_174 = arith.extui %or3A_173 : i1 to i32
      %cond3A_175 = arith.constant 0 : i32
      %cond3A_176 = arith.constant 0 : i32
      %cond3A_177 = arith.cmpi ne, %convert_element_type3A_174, %cond3A_176 : i32
      %cond3A_178 = scf.if %cond3A_177 -> (i32) {
        %jit3A_466 = arith.constant 8 : i32
        %div3A_467 = arith.divsi %squeeze3A_58, %jit3A_466 : i32
        %sign3A = arith.constant 0 : i32
        %sign3A_468 = arith.cmpi sgt, %squeeze3A_58, %sign3A : i32
        %sign3A_469 = arith.extui %sign3A_468 : i1 to i32
        %sign3A_470 = arith.constant 0 : i32
        %sign3A_471 = arith.cmpi slt, %squeeze3A_58, %sign3A_470 : i32
        %sign3A_472 = arith.extui %sign3A_471 : i1 to i32
        %sign3A_473 = arith.subi %sign3A_469, %sign3A_472 : i32
        %sign3A_474 = arith.constant 0 : i32
        %sign3A_475 = arith.cmpi sgt, %jit3A_466, %sign3A_474 : i32
        %sign3A_476 = arith.extui %sign3A_475 : i1 to i32
        %sign3A_477 = arith.constant 0 : i32
        %sign3A_478 = arith.cmpi slt, %jit3A_466, %sign3A_477 : i32
        %sign3A_479 = arith.extui %sign3A_478 : i1 to i32
        %sign3A_480 = arith.subi %sign3A_476, %sign3A_479 : i32
        %ne3A = arith.cmpi ne, %sign3A_473, %sign3A_480 : i32
        %rem3A = arith.remsi %squeeze3A_58, %jit3A_466 : i32
        %ne3A_481 = arith.constant 0 : i32
        %ne3A_482 = arith.cmpi ne, %rem3A, %ne3A_481 : i32
        %and3A = arith.andi %ne3A, %ne3A_482 : i1
        %sub3A_483 = arith.constant 1 : i32
        %sub3A_484 = arith.subi %div3A_467, %sub3A_483 : i32
        %select_n3A_485 = arith.select %and3A, %sub3A_484, %div3A_467 : i32
        %mul3A_486 = arith.constant 8 : i32
        %mul3A_487 = arith.muli %select_n3A_485, %mul3A_486 : i32
        %min3A = arith.constant 811008 : i32
        %min3A_488 = arith.minsi %mul3A_487, %min3A : i32
        "tpu.region"() ({
          %run_scoped3A = tpu.sem_alloc : memref<!tpu.dma_semaphore, #tpu.memory_space<semaphore_mem>>
          %dma_start3A = arith.constant 0 : i32
          %dma_start3A_489 = tpu.memref_slice %arg10[%dma_start3A] : memref<8256xi32, #tpu.memory_space<vmem>> -> memref<8192xi32, #tpu.memory_space<vmem>>
          %dma_start3A_490 = tpu.memref_slice %arg3[%min3A_488] : memref<819200xi32, #tpu.memory_space<hbm>> -> memref<8192xi32, #tpu.memory_space<hbm>>
          %dma_start3A_491 = arith.constant 0 : i32
          %dma_start3A_492 = tpu.memref_slice %arg10[%dma_start3A_491] : memref<8256xi32, #tpu.memory_space<vmem>> -> memref<8192xi32, #tpu.memory_space<vmem>>
          %dma_start3A_493 = tpu.memref_slice %arg3[%min3A_488] : memref<819200xi32, #tpu.memory_space<hbm>> -> memref<8192xi32, #tpu.memory_space<hbm>>
          tpu.enqueue_dma source(%dma_start3A_493 : memref<8192xi32, #tpu.memory_space<hbm>>) target(%dma_start3A_492 : memref<8192xi32, #tpu.memory_space<vmem>>) target_semaphore(%run_scoped3A : memref<!tpu.dma_semaphore, #tpu.memory_space<semaphore_mem>>)
          %dma_wait3A = arith.constant 0 : i32
          %dma_wait3A_494 = tpu.memref_slice %arg10[%dma_wait3A] : memref<8256xi32, #tpu.memory_space<vmem>> -> memref<8192xi32, #tpu.memory_space<vmem>>
          %dma_wait3A_495 = tpu.memref_slice %arg3[%min3A_488] : memref<819200xi32, #tpu.memory_space<hbm>> -> memref<8192xi32, #tpu.memory_space<hbm>>
          %dma_wait3A_496 = arith.constant 0 : i32
          %dma_wait3A_497 = tpu.memref_slice %arg10[%dma_wait3A_496] : memref<8256xi32, #tpu.memory_space<vmem>> -> memref<8192xi32, #tpu.memory_space<vmem>>
          %dma_wait3A_498 = tpu.memref_slice %arg3[%min3A_488] : memref<819200xi32, #tpu.memory_space<hbm>> -> memref<8192xi32, #tpu.memory_space<hbm>>
          tpu.wait_dma2 semaphore(%run_scoped3A : memref<!tpu.dma_semaphore, #tpu.memory_space<semaphore_mem>>) src(%dma_wait3A_498 : memref<8192xi32, #tpu.memory_space<hbm>>) dst(%dma_wait3A_497 : memref<8192xi32, #tpu.memory_space<vmem>>)
          tpu.yield
        }) : () -> ()
        "tpu.region"() ({
          %run_scoped3A = tpu.sem_alloc : memref<!tpu.dma_semaphore, #tpu.memory_space<semaphore_mem>>
          %dma_start3A = arith.constant 0 : i32
          %dma_start3A_489 = tpu.memref_slice %arg11[%dma_start3A] : memref<8256xf32, #tpu.memory_space<vmem>> -> memref<8192xf32, #tpu.memory_space<vmem>>
          %dma_start3A_490 = tpu.memref_slice %arg4[%min3A_488] : memref<819200xf32, #tpu.memory_space<hbm>> -> memref<8192xf32, #tpu.memory_space<hbm>>
          %dma_start3A_491 = arith.constant 0 : i32
          %dma_start3A_492 = tpu.memref_slice %arg11[%dma_start3A_491] : memref<8256xf32, #tpu.memory_space<vmem>> -> memref<8192xf32, #tpu.memory_space<vmem>>
          %dma_start3A_493 = tpu.memref_slice %arg4[%min3A_488] : memref<819200xf32, #tpu.memory_space<hbm>> -> memref<8192xf32, #tpu.memory_space<hbm>>
          tpu.enqueue_dma source(%dma_start3A_493 : memref<8192xf32, #tpu.memory_space<hbm>>) target(%dma_start3A_492 : memref<8192xf32, #tpu.memory_space<vmem>>) target_semaphore(%run_scoped3A : memref<!tpu.dma_semaphore, #tpu.memory_space<semaphore_mem>>)
          %dma_wait3A = arith.constant 0 : i32
          %dma_wait3A_494 = tpu.memref_slice %arg11[%dma_wait3A] : memref<8256xf32, #tpu.memory_space<vmem>> -> memref<8192xf32, #tpu.memory_space<vmem>>
          %dma_wait3A_495 = tpu.memref_slice %arg4[%min3A_488] : memref<819200xf32, #tpu.memory_space<hbm>> -> memref<8192xf32, #tpu.memory_space<hbm>>
          %dma_wait3A_496 = arith.constant 0 : i32
          %dma_wait3A_497 = tpu.memref_slice %arg11[%dma_wait3A_496] : memref<8256xf32, #tpu.memory_space<vmem>> -> memref<8192xf32, #tpu.memory_space<vmem>>
          %dma_wait3A_498 = tpu.memref_slice %arg4[%min3A_488] : memref<819200xf32, #tpu.memory_space<hbm>> -> memref<8192xf32, #tpu.memory_space<hbm>>
          tpu.wait_dma2 semaphore(%run_scoped3A : memref<!tpu.dma_semaphore, #tpu.memory_space<semaphore_mem>>) src(%dma_wait3A_498 : memref<8192xf32, #tpu.memory_space<hbm>>) dst(%dma_wait3A_497 : memref<8192xf32, #tpu.memory_space<vmem>>)
          tpu.yield
        }) : () -> ()
        "tpu.region"() ({
          %run_scoped3A = tpu.sem_alloc : memref<!tpu.dma_semaphore, #tpu.memory_space<semaphore_mem>>
          %dma_start3A = arith.constant 0 : i32
          %dma_start3A_489 = tpu.memref_slice %arg12[%dma_start3A] : memref<8256xf32, #tpu.memory_space<vmem>> -> memref<8192xf32, #tpu.memory_space<vmem>>
          %dma_start3A_490 = tpu.memref_slice %arg5[%min3A_488] : memref<819200xf32, #tpu.memory_space<hbm>> -> memref<8192xf32, #tpu.memory_space<hbm>>
          %dma_start3A_491 = arith.constant 0 : i32
          %dma_start3A_492 = tpu.memref_slice %arg12[%dma_start3A_491] : memref<8256xf32, #tpu.memory_space<vmem>> -> memref<8192xf32, #tpu.memory_space<vmem>>
          %dma_start3A_493 = tpu.memref_slice %arg5[%min3A_488] : memref<819200xf32, #tpu.memory_space<hbm>> -> memref<8192xf32, #tpu.memory_space<hbm>>
          tpu.enqueue_dma source(%dma_start3A_493 : memref<8192xf32, #tpu.memory_space<hbm>>) target(%dma_start3A_492 : memref<8192xf32, #tpu.memory_space<vmem>>) target_semaphore(%run_scoped3A : memref<!tpu.dma_semaphore, #tpu.memory_space<semaphore_mem>>)
          %dma_wait3A = arith.constant 0 : i32
          %dma_wait3A_494 = tpu.memref_slice %arg12[%dma_wait3A] : memref<8256xf32, #tpu.memory_space<vmem>> -> memref<8192xf32, #tpu.memory_space<vmem>>
          %dma_wait3A_495 = tpu.memref_slice %arg5[%min3A_488] : memref<819200xf32, #tpu.memory_space<hbm>> -> memref<8192xf32, #tpu.memory_space<hbm>>
          %dma_wait3A_496 = arith.constant 0 : i32
          %dma_wait3A_497 = tpu.memref_slice %arg12[%dma_wait3A_496] : memref<8256xf32, #tpu.memory_space<vmem>> -> memref<8192xf32, #tpu.memory_space<vmem>>
          %dma_wait3A_498 = tpu.memref_slice %arg5[%min3A_488] : memref<819200xf32, #tpu.memory_space<hbm>> -> memref<8192xf32, #tpu.memory_space<hbm>>
          tpu.wait_dma2 semaphore(%run_scoped3A : memref<!tpu.dma_semaphore, #tpu.memory_space<semaphore_mem>>) src(%dma_wait3A_498 : memref<8192xf32, #tpu.memory_space<hbm>>) dst(%dma_wait3A_497 : memref<8192xf32, #tpu.memory_space<vmem>>)
          tpu.yield
        }) : () -> ()
        scf.yield %min3A_488 : i32
      } else {
        scf.yield %cond3A_71 : i32
      }
      %sub3A_179 = arith.subi %squeeze3A_58, %cond3A_178 : i32
      %add3A_180 = arith.constant 0 : i32
      %add3A_181 = arith.addi %sub3A_179, %add3A_180 : i32
      %get3A_182 = arith.index_cast %add3A_181 : i32 to index
      %get3A_183 = tpu.vector_load %arg10[%get3A_182] {strides = array<i32>} : memref<8256xi32, #tpu.memory_space<vmem>>, vector<16xi32>,
      %add3A_184 = arith.constant 16 : i32
      %add3A_185 = arith.addi %sub3A_179, %add3A_184 : i32
      %get3A_186 = arith.index_cast %add3A_185 : i32 to index
      %get3A_187 = tpu.vector_load %arg10[%get3A_186] {strides = array<i32>} : memref<8256xi32, #tpu.memory_space<vmem>>, vector<16xi32>,
      %add3A_188 = arith.constant 32 : i32
      %add3A_189 = arith.addi %sub3A_179, %add3A_188 : i32
      %get3A_190 = arith.index_cast %add3A_189 : i32 to index
      %get3A_191 = tpu.vector_load %arg10[%get3A_190] {strides = array<i32>} : memref<8256xi32, #tpu.memory_space<vmem>>, vector<16xi32>,
      %add3A_192 = arith.constant 48 : i32
      %add3A_193 = arith.addi %sub3A_179, %add3A_192 : i32
      %get3A_194 = arith.index_cast %add3A_193 : i32 to index
      %get3A_195 = tpu.vector_load %arg10[%get3A_194] {strides = array<i32>} : memref<8256xi32, #tpu.memory_space<vmem>>, vector<16xi32>,
      %add3A_196 = arith.constant 0 : i32
      %add3A_197 = arith.addi %sub3A_179, %add3A_196 : i32
      %get3A_198 = arith.index_cast %add3A_197 : i32 to index
      %get3A_199 = tpu.vector_load %arg11[%get3A_198] {strides = array<i32>} : memref<8256xf32, #tpu.memory_space<vmem>>, vector<16xf32>,
      %add3A_200 = arith.constant 16 : i32
      %add3A_201 = arith.addi %sub3A_179, %add3A_200 : i32
      %get3A_202 = arith.index_cast %add3A_201 : i32 to index
      %get3A_203 = tpu.vector_load %arg11[%get3A_202] {strides = array<i32>} : memref<8256xf32, #tpu.memory_space<vmem>>, vector<16xf32>,
      %add3A_204 = arith.constant 32 : i32
      %add3A_205 = arith.addi %sub3A_179, %add3A_204 : i32
      %get3A_206 = arith.index_cast %add3A_205 : i32 to index
      %get3A_207 = tpu.vector_load %arg11[%get3A_206] {strides = array<i32>} : memref<8256xf32, #tpu.memory_space<vmem>>, vector<16xf32>,
      %add3A_208 = arith.constant 48 : i32
      %add3A_209 = arith.addi %sub3A_179, %add3A_208 : i32
      %get3A_210 = arith.index_cast %add3A_209 : i32 to index
      %get3A_211 = tpu.vector_load %arg11[%get3A_210] {strides = array<i32>} : memref<8256xf32, #tpu.memory_space<vmem>>, vector<16xf32>,
      %add3A_212 = arith.constant 0 : i32
      %add3A_213 = arith.addi %sub3A_179, %add3A_212 : i32
      %get3A_214 = arith.index_cast %add3A_213 : i32 to index
      %get3A_215 = tpu.vector_load %arg12[%get3A_214] {strides = array<i32>} : memref<8256xf32, #tpu.memory_space<vmem>>, vector<16xf32>,
      %add3A_216 = arith.constant 16 : i32
      %add3A_217 = arith.addi %sub3A_179, %add3A_216 : i32
      %get3A_218 = arith.index_cast %add3A_217 : i32 to index
      %get3A_219 = tpu.vector_load %arg12[%get3A_218] {strides = array<i32>} : memref<8256xf32, #tpu.memory_space<vmem>>, vector<16xf32>,
      %add3A_220 = arith.constant 32 : i32
      %add3A_221 = arith.addi %sub3A_179, %add3A_220 : i32
      %get3A_222 = arith.index_cast %add3A_221 : i32 to index
      %get3A_223 = tpu.vector_load %arg12[%get3A_222] {strides = array<i32>} : memref<8256xf32, #tpu.memory_space<vmem>>, vector<16xf32>,
      %add3A_224 = arith.constant 48 : i32
      %add3A_225 = arith.addi %sub3A_179, %add3A_224 : i32
      %get3A_226 = arith.index_cast %add3A_225 : i32 to index
      %get3A_227 = tpu.vector_load %arg12[%get3A_226] {strides = array<i32>} : memref<8256xf32, #tpu.memory_space<vmem>>, vector<16xf32>,
      %eq3A_228 = vector.broadcast %add3A_63 : i32 to vector<16xi32>
      %eq3A_229 = arith.cmpi eq, %get3A_183, %eq3A_228 : vector<16xi32>
      %eq3A_230 = vector.broadcast %add3A_63 : i32 to vector<16xi32>
      %eq3A_231 = arith.cmpi eq, %get3A_187, %eq3A_230 : vector<16xi32>
      %eq3A_232 = vector.broadcast %add3A_63 : i32 to vector<16xi32>
      %eq3A_233 = arith.cmpi eq, %get3A_191, %eq3A_232 : vector<16xi32>
      %eq3A_234 = vector.broadcast %add3A_63 : i32 to vector<16xi32>
      %eq3A_235 = arith.cmpi eq, %get3A_195, %eq3A_234 : vector<16xi32>
      %jit3A_236 = arith.constant -1.000000e+00 : f32
      %broadcast_in_dim3A_237 = vector.broadcast %jit3A_236 : f32 to vector<16xf32>
      %select_n3A_238 = arith.select %eq3A_229, %get3A_199, %broadcast_in_dim3A_237 : vector<16xi1>, vector<16xf32>
      %jit3A_239 = arith.constant -1.000000e+00 : f32
      %broadcast_in_dim3A_240 = vector.broadcast %jit3A_239 : f32 to vector<16xf32>
      %select_n3A_241 = arith.select %eq3A_231, %get3A_203, %broadcast_in_dim3A_240 : vector<16xi1>, vector<16xf32>
      %jit3A_242 = arith.constant -1.000000e+00 : f32
      %broadcast_in_dim3A_243 = vector.broadcast %jit3A_242 : f32 to vector<16xf32>
      %select_n3A_244 = arith.select %eq3A_233, %get3A_207, %broadcast_in_dim3A_243 : vector<16xi1>, vector<16xf32>
      %jit3A_245 = arith.constant -1.000000e+00 : f32
      %broadcast_in_dim3A_246 = vector.broadcast %jit3A_245 : f32 to vector<16xf32>
      %select_n3A_247 = arith.select %eq3A_235, %get3A_211, %broadcast_in_dim3A_246 : vector<16xi1>, vector<16xf32>
      %jit3A_248 = arith.constant 0.000000e+00 : f32
      %broadcast_in_dim3A_249 = vector.broadcast %jit3A_248 : f32 to vector<16xf32>
      %select_n3A_250 = arith.select %eq3A_229, %get3A_215, %broadcast_in_dim3A_249 : vector<16xi1>, vector<16xf32>
      %jit3A_251 = arith.constant 0.000000e+00 : f32
      %broadcast_in_dim3A_252 = vector.broadcast %jit3A_251 : f32 to vector<16xf32>
      %select_n3A_253 = arith.select %eq3A_231, %get3A_219, %broadcast_in_dim3A_252 : vector<16xi1>, vector<16xf32>
      %jit3A_254 = arith.constant 0.000000e+00 : f32
      %broadcast_in_dim3A_255 = vector.broadcast %jit3A_254 : f32 to vector<16xf32>
      %select_n3A_256 = arith.select %eq3A_233, %get3A_223, %broadcast_in_dim3A_255 : vector<16xi1>, vector<16xf32>
      %jit3A_257 = arith.constant 0.000000e+00 : f32
      %broadcast_in_dim3A_258 = vector.broadcast %jit3A_257 : f32 to vector<16xf32>
      %select_n3A_259 = arith.select %eq3A_235, %get3A_227, %broadcast_in_dim3A_258 : vector<16xi1>, vector<16xf32>
      %jit3A_260 = arith.constant -1.000000e+00 : f32
      %broadcast_in_dim3A_261 = vector.broadcast %jit3A_260 : f32 to vector<16xf32>
      %select_n3A_262 = arith.select %eq3A_229, %get3A_215, %broadcast_in_dim3A_261 : vector<16xi1>, vector<16xf32>
      %jit3A_263 = arith.constant -1.000000e+00 : f32
      %broadcast_in_dim3A_264 = vector.broadcast %jit3A_263 : f32 to vector<16xf32>
      %select_n3A_265 = arith.select %eq3A_231, %get3A_219, %broadcast_in_dim3A_264 : vector<16xi1>, vector<16xf32>
      %jit3A_266 = arith.constant -1.000000e+00 : f32
      %broadcast_in_dim3A_267 = vector.broadcast %jit3A_266 : f32 to vector<16xf32>
      %select_n3A_268 = arith.select %eq3A_233, %get3A_223, %broadcast_in_dim3A_267 : vector<16xi1>, vector<16xf32>
      %jit3A_269 = arith.constant -1.000000e+00 : f32
      %broadcast_in_dim3A_270 = vector.broadcast %jit3A_269 : f32 to vector<16xf32>
      %select_n3A_271 = arith.select %eq3A_235, %get3A_227, %broadcast_in_dim3A_270 : vector<16xi1>, vector<16xf32>
      %slice3A_272 = vector.extract_strided_slice %get3A_195 {offsets = [15], sizes = [1], strides = [1]} : vector<16xi32> to vector<1xi32>
      %squeeze3A_273 = vector.extract %slice3A_272[0] : i32 from vector<1xi32>
      %eq3A_274 = arith.cmpi eq, %squeeze3A_273, %add3A_63 : i32
      %masked_sort3A = arith.constant dense<true> : vector<16xi1>
      %masked_sort3A_275, %masked_sort3A_276, %masked_sort3A_277 = tpu.sort %select_n3A_130, %select_n3A_142 masked %masked_sort3A : (vector<16xf32>, vector<16xf32>, vector<16xi1>) -> (vector<16xi1>, vector<16xf32>, vector<16xf32>)
      %masked_sort3A_278 = arith.constant dense<true> : vector<16xi1>
      %masked_sort3A_279, %masked_sort3A_280, %masked_sort3A_281 = tpu.sort %select_n3A_133, %select_n3A_145 masked %masked_sort3A_278 {descending = true} : (vector<16xf32>, vector<16xf32>, vector<16xi1>) -> (vector<16xi1>, vector<16xf32>, vector<16xf32>)
      %masked_sort3A_282 = arith.constant dense<true> : vector<16xi1>
      %masked_sort3A_283, %masked_sort3A_284, %masked_sort3A_285 = tpu.sort %select_n3A_136, %select_n3A_148 masked %masked_sort3A_282 : (vector<16xf32>, vector<16xf32>, vector<16xi1>) -> (vector<16xi1>, vector<16xf32>, vector<16xf32>)
      %masked_sort3A_286 = arith.constant dense<true> : vector<16xi1>
      %masked_sort3A_287, %masked_sort3A_288, %masked_sort3A_289 = tpu.sort %select_n3A_139, %select_n3A_151 masked %masked_sort3A_286 {descending = true} : (vector<16xf32>, vector<16xf32>, vector<16xi1>) -> (vector<16xi1>, vector<16xf32>, vector<16xf32>)
      %ge3A = arith.cmpf oge, %masked_sort3A_280, %masked_sort3A_276 : vector<16xf32>
      %select_n3A_290 = arith.select %ge3A, %masked_sort3A_280, %masked_sort3A_276 : vector<16xi1>, vector<16xf32>
      %select_n3A_291 = arith.select %ge3A, %masked_sort3A_281, %masked_sort3A_277 : vector<16xi1>, vector<16xf32>
      %masked_sort3A_292 = arith.constant dense<true> : vector<16xi1>
      %masked_sort3A_293, %masked_sort3A_294, %masked_sort3A_295 = tpu.sort %select_n3A_290, %select_n3A_291 masked %masked_sort3A_292 : (vector<16xf32>, vector<16xf32>, vector<16xi1>) -> (vector<16xi1>, vector<16xf32>, vector<16xf32>)
      %ge3A_296 = arith.cmpf oge, %masked_sort3A_288, %masked_sort3A_284 : vector<16xf32>
      %select_n3A_297 = arith.select %ge3A_296, %masked_sort3A_288, %masked_sort3A_284 : vector<16xi1>, vector<16xf32>
      %select_n3A_298 = arith.select %ge3A_296, %masked_sort3A_289, %masked_sort3A_285 : vector<16xi1>, vector<16xf32>
      %masked_sort3A_299 = arith.constant dense<true> : vector<16xi1>
      %masked_sort3A_300, %masked_sort3A_301, %masked_sort3A_302 = tpu.sort %select_n3A_297, %select_n3A_298 masked %masked_sort3A_299 {descending = true} : (vector<16xf32>, vector<16xf32>, vector<16xi1>) -> (vector<16xi1>, vector<16xf32>, vector<16xf32>)
      %ge3A_303 = arith.cmpf oge, %masked_sort3A_301, %masked_sort3A_294 : vector<16xf32>
      %select_n3A_304 = arith.select %ge3A_303, %masked_sort3A_301, %masked_sort3A_294 : vector<16xi1>, vector<16xf32>
      %select_n3A_305 = arith.select %ge3A_303, %masked_sort3A_302, %masked_sort3A_295 : vector<16xi1>, vector<16xf32>
      %masked_sort3A_306 = arith.constant dense<true> : vector<16xi1>
      %masked_sort3A_307, %masked_sort3A_308, %masked_sort3A_309 = tpu.sort %select_n3A_304, %select_n3A_305 masked %masked_sort3A_306 {descending = true} : (vector<16xf32>, vector<16xf32>, vector<16xi1>) -> (vector<16xi1>, vector<16xf32>, vector<16xf32>)
      %masked_sort3A_310 = arith.constant dense<true> : vector<16xi1>
      %masked_sort3A_311, %masked_sort3A_312, %masked_sort3A_313 = tpu.sort %select_n3A_154, %select_n3A_154 masked %masked_sort3A_310 : (vector<16xf32>, vector<16xf32>, vector<16xi1>) -> (vector<16xi1>, vector<16xf32>, vector<16xf32>)
      %masked_sort3A_314 = arith.constant dense<true> : vector<16xi1>
      %masked_sort3A_315, %masked_sort3A_316, %masked_sort3A_317 = tpu.sort %select_n3A_157, %select_n3A_157 masked %masked_sort3A_314 {descending = true} : (vector<16xf32>, vector<16xf32>, vector<16xi1>) -> (vector<16xi1>, vector<16xf32>, vector<16xf32>)
      %masked_sort3A_318 = arith.constant dense<true> : vector<16xi1>
      %masked_sort3A_319, %masked_sort3A_320, %masked_sort3A_321 = tpu.sort %select_n3A_160, %select_n3A_160 masked %masked_sort3A_318 : (vector<16xf32>, vector<16xf32>, vector<16xi1>) -> (vector<16xi1>, vector<16xf32>, vector<16xf32>)
      %masked_sort3A_322 = arith.constant dense<true> : vector<16xi1>
      %masked_sort3A_323, %masked_sort3A_324, %masked_sort3A_325 = tpu.sort %select_n3A_163, %select_n3A_163 masked %masked_sort3A_322 {descending = true} : (vector<16xf32>, vector<16xf32>, vector<16xi1>) -> (vector<16xi1>, vector<16xf32>, vector<16xf32>)
      %max3A = arith.maximumf %masked_sort3A_316, %masked_sort3A_312 : vector<16xf32>
      %masked_sort3A_326 = arith.constant dense<true> : vector<16xi1>
      %masked_sort3A_327, %masked_sort3A_328, %masked_sort3A_329 = tpu.sort %max3A, %max3A masked %masked_sort3A_326 : (vector<16xf32>, vector<16xf32>, vector<16xi1>) -> (vector<16xi1>, vector<16xf32>, vector<16xf32>)
      %max3A_330 = arith.maximumf %masked_sort3A_324, %masked_sort3A_320 : vector<16xf32>
      %masked_sort3A_331 = arith.constant dense<true> : vector<16xi1>
      %masked_sort3A_332, %masked_sort3A_333, %masked_sort3A_334 = tpu.sort %max3A_330, %max3A_330 masked %masked_sort3A_331 {descending = true} : (vector<16xf32>, vector<16xf32>, vector<16xi1>) -> (vector<16xi1>, vector<16xf32>, vector<16xf32>)
      %max3A_335 = arith.maximumf %masked_sort3A_333, %masked_sort3A_328 : vector<16xf32>
      %masked_sort3A_336 = arith.constant dense<true> : vector<16xi1>
      %masked_sort3A_337, %masked_sort3A_338, %masked_sort3A_339 = tpu.sort %max3A_335, %max3A_335 masked %masked_sort3A_336 {descending = true} : (vector<16xf32>, vector<16xf32>, vector<16xi1>) -> (vector<16xi1>, vector<16xf32>, vector<16xf32>)
      %masked_sort3A_340 = arith.constant dense<true> : vector<16xi1>
      %masked_sort3A_341, %masked_sort3A_342, %masked_sort3A_343 = tpu.sort %select_n3A_238, %select_n3A_250 masked %masked_sort3A_340 : (vector<16xf32>, vector<16xf32>, vector<16xi1>) -> (vector<16xi1>, vector<16xf32>, vector<16xf32>)
      %masked_sort3A_344 = arith.constant dense<true> : vector<16xi1>
      %masked_sort3A_345, %masked_sort3A_346, %masked_sort3A_347 = tpu.sort %select_n3A_241, %select_n3A_253 masked %masked_sort3A_344 {descending = true} : (vector<16xf32>, vector<16xf32>, vector<16xi1>) -> (vector<16xi1>, vector<16xf32>, vector<16xf32>)
      %masked_sort3A_348 = arith.constant dense<true> : vector<16xi1>
      %masked_sort3A_349, %masked_sort3A_350, %masked_sort3A_351 = tpu.sort %select_n3A_244, %select_n3A_256 masked %masked_sort3A_348 : (vector<16xf32>, vector<16xf32>, vector<16xi1>) -> (vector<16xi1>, vector<16xf32>, vector<16xf32>)
      %masked_sort3A_352 = arith.constant dense<true> : vector<16xi1>
      %masked_sort3A_353, %masked_sort3A_354, %masked_sort3A_355 = tpu.sort %select_n3A_247, %select_n3A_259 masked %masked_sort3A_352 {descending = true} : (vector<16xf32>, vector<16xf32>, vector<16xi1>) -> (vector<16xi1>, vector<16xf32>, vector<16xf32>)
      %ge3A_356 = arith.cmpf oge, %masked_sort3A_346, %masked_sort3A_342 : vector<16xf32>
      %select_n3A_357 = arith.select %ge3A_356, %masked_sort3A_346, %masked_sort3A_342 : vector<16xi1>, vector<16xf32>
      %select_n3A_358 = arith.select %ge3A_356, %masked_sort3A_347, %masked_sort3A_343 : vector<16xi1>, vector<16xf32>
      %masked_sort3A_359 = arith.constant dense<true> : vector<16xi1>
      %masked_sort3A_360, %masked_sort3A_361, %masked_sort3A_362 = tpu.sort %select_n3A_357, %select_n3A_358 masked %masked_sort3A_359 : (vector<16xf32>, vector<16xf32>, vector<16xi1>) -> (vector<16xi1>, vector<16xf32>, vector<16xf32>)
      %ge3A_363 = arith.cmpf oge, %masked_sort3A_354, %masked_sort3A_350 : vector<16xf32>
      %select_n3A_364 = arith.select %ge3A_363, %masked_sort3A_354, %masked_sort3A_350 : vector<16xi1>, vector<16xf32>
      %select_n3A_365 = arith.select %ge3A_363, %masked_sort3A_355, %masked_sort3A_351 : vector<16xi1>, vector<16xf32>
      %masked_sort3A_366 = arith.constant dense<true> : vector<16xi1>
      %masked_sort3A_367, %masked_sort3A_368, %masked_sort3A_369 = tpu.sort %select_n3A_364, %select_n3A_365 masked %masked_sort3A_366 {descending = true} : (vector<16xf32>, vector<16xf32>, vector<16xi1>) -> (vector<16xi1>, vector<16xf32>, vector<16xf32>)
      %ge3A_370 = arith.cmpf oge, %masked_sort3A_368, %masked_sort3A_361 : vector<16xf32>
      %select_n3A_371 = arith.select %ge3A_370, %masked_sort3A_368, %masked_sort3A_361 : vector<16xi1>, vector<16xf32>
      %select_n3A_372 = arith.select %ge3A_370, %masked_sort3A_369, %masked_sort3A_362 : vector<16xi1>, vector<16xf32>
      %masked_sort3A_373 = arith.constant dense<true> : vector<16xi1>
      %masked_sort3A_374, %masked_sort3A_375, %masked_sort3A_376 = tpu.sort %select_n3A_371, %select_n3A_372 masked %masked_sort3A_373 {descending = true} : (vector<16xf32>, vector<16xf32>, vector<16xi1>) -> (vector<16xi1>, vector<16xf32>, vector<16xf32>)
      %masked_sort3A_377 = arith.constant dense<true> : vector<16xi1>
      %masked_sort3A_378, %masked_sort3A_379, %masked_sort3A_380 = tpu.sort %select_n3A_262, %select_n3A_262 masked %masked_sort3A_377 : (vector<16xf32>, vector<16xf32>, vector<16xi1>) -> (vector<16xi1>, vector<16xf32>, vector<16xf32>)
      %masked_sort3A_381 = arith.constant dense<true> : vector<16xi1>
      %masked_sort3A_382, %masked_sort3A_383, %masked_sort3A_384 = tpu.sort %select_n3A_265, %select_n3A_265 masked %masked_sort3A_381 {descending = true} : (vector<16xf32>, vector<16xf32>, vector<16xi1>) -> (vector<16xi1>, vector<16xf32>, vector<16xf32>)
      %masked_sort3A_385 = arith.constant dense<true> : vector<16xi1>
      %masked_sort3A_386, %masked_sort3A_387, %masked_sort3A_388 = tpu.sort %select_n3A_268, %select_n3A_268 masked %masked_sort3A_385 : (vector<16xf32>, vector<16xf32>, vector<16xi1>) -> (vector<16xi1>, vector<16xf32>, vector<16xf32>)
      %masked_sort3A_389 = arith.constant dense<true> : vector<16xi1>
      %masked_sort3A_390, %masked_sort3A_391, %masked_sort3A_392 = tpu.sort %select_n3A_271, %select_n3A_271 masked %masked_sort3A_389 {descending = true} : (vector<16xf32>, vector<16xf32>, vector<16xi1>) -> (vector<16xi1>, vector<16xf32>, vector<16xf32>)
      %max3A_393 = arith.maximumf %masked_sort3A_383, %masked_sort3A_379 : vector<16xf32>
      %masked_sort3A_394 = arith.constant dense<true> : vector<16xi1>
      %masked_sort3A_395, %masked_sort3A_396, %masked_sort3A_397 = tpu.sort %max3A_393, %max3A_393 masked %masked_sort3A_394 : (vector<16xf32>, vector<16xf32>, vector<16xi1>) -> (vector<16xi1>, vector<16xf32>, vector<16xf32>)
      %max3A_398 = arith.maximumf %masked_sort3A_391, %masked_sort3A_387 : vector<16xf32>
      %masked_sort3A_399 = arith.constant dense<true> : vector<16xi1>
      %masked_sort3A_400, %masked_sort3A_401, %masked_sort3A_402 = tpu.sort %max3A_398, %max3A_398 masked %masked_sort3A_399 {descending = true} : (vector<16xf32>, vector<16xf32>, vector<16xi1>) -> (vector<16xi1>, vector<16xf32>, vector<16xf32>)
      %max3A_403 = arith.maximumf %masked_sort3A_401, %masked_sort3A_396 : vector<16xf32>
      %masked_sort3A_404 = arith.constant dense<true> : vector<16xi1>
      %masked_sort3A_405, %masked_sort3A_406, %masked_sort3A_407 = tpu.sort %max3A_403, %max3A_403 masked %masked_sort3A_404 {descending = true} : (vector<16xf32>, vector<16xf32>, vector<16xi1>) -> (vector<16xi1>, vector<16xf32>, vector<16xf32>)
      %add3A_408 = arith.constant 64 : i32
      %add3A_409 = arith.addi %squeeze3A_56, %add3A_408 : i32
      %while3A:6 = scf.while (%while3A_466 = %eq3A_166, %while3A_467 = %add3A_409, %while3A_468 = %cond3A_178, %while3A_469 = %masked_sort3A_308, %while3A_470 = %masked_sort3A_309, %while3A_471 = %masked_sort3A_338) : (i1, i32, i32, vector<16xf32>, vector<16xf32>, vector<16xf32>) -> (i1, i32, i32, vector<16xf32>, vector<16xf32>, vector<16xf32>) {
        scf.condition(%while3A_466) %while3A_466, %while3A_467, %while3A_468, %while3A_469, %while3A_470, %while3A_471 : i1, i32, i32, vector<16xf32>, vector<16xf32>, vector<16xf32>
      } do {
      ^bb0(%while3A_466: i1, %while3A_467: i32, %while3A_468: i32, %while3A_469: vector<16xf32>, %while3A_470: vector<16xf32>, %while3A_471: vector<16xf32>):
        %lt3A_472 = arith.cmpi slt, %while3A_467, %while3A_468 : i32
        %add3A_473 = arith.constant 64 : i32
        %add3A_474 = arith.addi %while3A_467, %add3A_473 : i32
        %add3A_475 = arith.constant 8192 : i32
        %add3A_476 = arith.addi %while3A_468, %add3A_475 : i32
        %gt3A_477 = arith.cmpi sgt, %add3A_474, %add3A_476 : i32
        %or3A_478 = arith.ori %lt3A_472, %gt3A_477 : i1
        %convert_element_type3A_479 = arith.extui %or3A_478 : i1 to i32
        %cond3A_480 = arith.constant 0 : i32
        %cond3A_481 = arith.constant 0 : i32
        %cond3A_482 = arith.cmpi ne, %convert_element_type3A_479, %cond3A_481 : i32
        %cond3A_483 = scf.if %cond3A_482 -> (i32) {
          %jit3A_662 = arith.constant 8 : i32
          %div3A_663 = arith.divsi %while3A_467, %jit3A_662 : i32
          %sign3A = arith.constant 0 : i32
          %sign3A_664 = arith.cmpi sgt, %while3A_467, %sign3A : i32
          %sign3A_665 = arith.extui %sign3A_664 : i1 to i32
          %sign3A_666 = arith.constant 0 : i32
          %sign3A_667 = arith.cmpi slt, %while3A_467, %sign3A_666 : i32
          %sign3A_668 = arith.extui %sign3A_667 : i1 to i32
          %sign3A_669 = arith.subi %sign3A_665, %sign3A_668 : i32
          %sign3A_670 = arith.constant 0 : i32
          %sign3A_671 = arith.cmpi sgt, %jit3A_662, %sign3A_670 : i32
          %sign3A_672 = arith.extui %sign3A_671 : i1 to i32
          %sign3A_673 = arith.constant 0 : i32
          %sign3A_674 = arith.cmpi slt, %jit3A_662, %sign3A_673 : i32
          %sign3A_675 = arith.extui %sign3A_674 : i1 to i32
          %sign3A_676 = arith.subi %sign3A_672, %sign3A_675 : i32
          %ne3A = arith.cmpi ne, %sign3A_669, %sign3A_676 : i32
          %rem3A = arith.remsi %while3A_467, %jit3A_662 : i32
          %ne3A_677 = arith.constant 0 : i32
          %ne3A_678 = arith.cmpi ne, %rem3A, %ne3A_677 : i32
          %and3A = arith.andi %ne3A, %ne3A_678 : i1
          %sub3A_679 = arith.constant 1 : i32
          %sub3A_680 = arith.subi %div3A_663, %sub3A_679 : i32
          %select_n3A_681 = arith.select %and3A, %sub3A_680, %div3A_663 : i32
          %mul3A_682 = arith.constant 8 : i32
          %mul3A_683 = arith.muli %select_n3A_681, %mul3A_682 : i32
          %min3A = arith.constant 811008 : i32
          %min3A_684 = arith.minsi %mul3A_683, %min3A : i32
          "tpu.region"() ({
            %run_scoped3A = tpu.sem_alloc : memref<!tpu.dma_semaphore, #tpu.memory_space<semaphore_mem>>
            %dma_start3A = arith.constant 0 : i32
            %dma_start3A_685 = tpu.memref_slice %arg10[%dma_start3A] : memref<8256xi32, #tpu.memory_space<vmem>> -> memref<8192xi32, #tpu.memory_space<vmem>>
            %dma_start3A_686 = tpu.memref_slice %arg3[%min3A_684] : memref<819200xi32, #tpu.memory_space<hbm>> -> memref<8192xi32, #tpu.memory_space<hbm>>
            %dma_start3A_687 = arith.constant 0 : i32
            %dma_start3A_688 = tpu.memref_slice %arg10[%dma_start3A_687] : memref<8256xi32, #tpu.memory_space<vmem>> -> memref<8192xi32, #tpu.memory_space<vmem>>
            %dma_start3A_689 = tpu.memref_slice %arg3[%min3A_684] : memref<819200xi32, #tpu.memory_space<hbm>> -> memref<8192xi32, #tpu.memory_space<hbm>>
            tpu.enqueue_dma source(%dma_start3A_689 : memref<8192xi32, #tpu.memory_space<hbm>>) target(%dma_start3A_688 : memref<8192xi32, #tpu.memory_space<vmem>>) target_semaphore(%run_scoped3A : memref<!tpu.dma_semaphore, #tpu.memory_space<semaphore_mem>>)
            %dma_wait3A = arith.constant 0 : i32
            %dma_wait3A_690 = tpu.memref_slice %arg10[%dma_wait3A] : memref<8256xi32, #tpu.memory_space<vmem>> -> memref<8192xi32, #tpu.memory_space<vmem>>
            %dma_wait3A_691 = tpu.memref_slice %arg3[%min3A_684] : memref<819200xi32, #tpu.memory_space<hbm>> -> memref<8192xi32, #tpu.memory_space<hbm>>
            %dma_wait3A_692 = arith.constant 0 : i32
            %dma_wait3A_693 = tpu.memref_slice %arg10[%dma_wait3A_692] : memref<8256xi32, #tpu.memory_space<vmem>> -> memref<8192xi32, #tpu.memory_space<vmem>>
            %dma_wait3A_694 = tpu.memref_slice %arg3[%min3A_684] : memref<819200xi32, #tpu.memory_space<hbm>> -> memref<8192xi32, #tpu.memory_space<hbm>>
            tpu.wait_dma2 semaphore(%run_scoped3A : memref<!tpu.dma_semaphore, #tpu.memory_space<semaphore_mem>>) src(%dma_wait3A_694 : memref<8192xi32, #tpu.memory_space<hbm>>) dst(%dma_wait3A_693 : memref<8192xi32, #tpu.memory_space<vmem>>)
            tpu.yield
          }) : () -> ()
          "tpu.region"() ({
            %run_scoped3A = tpu.sem_alloc : memref<!tpu.dma_semaphore, #tpu.memory_space<semaphore_mem>>
            %dma_start3A = arith.constant 0 : i32
            %dma_start3A_685 = tpu.memref_slice %arg11[%dma_start3A] : memref<8256xf32, #tpu.memory_space<vmem>> -> memref<8192xf32, #tpu.memory_space<vmem>>
            %dma_start3A_686 = tpu.memref_slice %arg4[%min3A_684] : memref<819200xf32, #tpu.memory_space<hbm>> -> memref<8192xf32, #tpu.memory_space<hbm>>
            %dma_start3A_687 = arith.constant 0 : i32
            %dma_start3A_688 = tpu.memref_slice %arg11[%dma_start3A_687] : memref<8256xf32, #tpu.memory_space<vmem>> -> memref<8192xf32, #tpu.memory_space<vmem>>
            %dma_start3A_689 = tpu.memref_slice %arg4[%min3A_684] : memref<819200xf32, #tpu.memory_space<hbm>> -> memref<8192xf32, #tpu.memory_space<hbm>>
            tpu.enqueue_dma source(%dma_start3A_689 : memref<8192xf32, #tpu.memory_space<hbm>>) target(%dma_start3A_688 : memref<8192xf32, #tpu.memory_space<vmem>>) target_semaphore(%run_scoped3A : memref<!tpu.dma_semaphore, #tpu.memory_space<semaphore_mem>>)
            %dma_wait3A = arith.constant 0 : i32
            %dma_wait3A_690 = tpu.memref_slice %arg11[%dma_wait3A] : memref<8256xf32, #tpu.memory_space<vmem>> -> memref<8192xf32, #tpu.memory_space<vmem>>
            %dma_wait3A_691 = tpu.memref_slice %arg4[%min3A_684] : memref<819200xf32, #tpu.memory_space<hbm>> -> memref<8192xf32, #tpu.memory_space<hbm>>
            %dma_wait3A_692 = arith.constant 0 : i32
            %dma_wait3A_693 = tpu.memref_slice %arg11[%dma_wait3A_692] : memref<8256xf32, #tpu.memory_space<vmem>> -> memref<8192xf32, #tpu.memory_space<vmem>>
            %dma_wait3A_694 = tpu.memref_slice %arg4[%min3A_684] : memref<819200xf32, #tpu.memory_space<hbm>> -> memref<8192xf32, #tpu.memory_space<hbm>>
            tpu.wait_dma2 semaphore(%run_scoped3A : memref<!tpu.dma_semaphore, #tpu.memory_space<semaphore_mem>>) src(%dma_wait3A_694 : memref<8192xf32, #tpu.memory_space<hbm>>) dst(%dma_wait3A_693 : memref<8192xf32, #tpu.memory_space<vmem>>)
            tpu.yield
          }) : () -> ()
          "tpu.region"() ({
            %run_scoped3A = tpu.sem_alloc : memref<!tpu.dma_semaphore, #tpu.memory_space<semaphore_mem>>
            %dma_start3A = arith.constant 0 : i32
            %dma_start3A_685 = tpu.memref_slice %arg12[%dma_start3A] : memref<8256xf32, #tpu.memory_space<vmem>> -> memref<8192xf32, #tpu.memory_space<vmem>>
            %dma_start3A_686 = tpu.memref_slice %arg5[%min3A_684] : memref<819200xf32, #tpu.memory_space<hbm>> -> memref<8192xf32, #tpu.memory_space<hbm>>
            %dma_start3A_687 = arith.constant 0 : i32
            %dma_start3A_688 = tpu.memref_slice %arg12[%dma_start3A_687] : memref<8256xf32, #tpu.memory_space<vmem>> -> memref<8192xf32, #tpu.memory_space<vmem>>
            %dma_start3A_689 = tpu.memref_slice %arg5[%min3A_684] : memref<819200xf32, #tpu.memory_space<hbm>> -> memref<8192xf32, #tpu.memory_space<hbm>>
            tpu.enqueue_dma source(%dma_start3A_689 : memref<8192xf32, #tpu.memory_space<hbm>>) target(%dma_start3A_688 : memref<8192xf32, #tpu.memory_space<vmem>>) target_semaphore(%run_scoped3A : memref<!tpu.dma_semaphore, #tpu.memory_space<semaphore_mem>>)
            %dma_wait3A = arith.constant 0 : i32
            %dma_wait3A_690 = tpu.memref_slice %arg12[%dma_wait3A] : memref<8256xf32, #tpu.memory_space<vmem>> -> memref<8192xf32, #tpu.memory_space<vmem>>
            %dma_wait3A_691 = tpu.memref_slice %arg5[%min3A_684] : memref<819200xf32, #tpu.memory_space<hbm>> -> memref<8192xf32, #tpu.memory_space<hbm>>
            %dma_wait3A_692 = arith.constant 0 : i32
            %dma_wait3A_693 = tpu.memref_slice %arg12[%dma_wait3A_692] : memref<8256xf32, #tpu.memory_space<vmem>> -> memref<8192xf32, #tpu.memory_space<vmem>>
            %dma_wait3A_694 = tpu.memref_slice %arg5[%min3A_684] : memref<819200xf32, #tpu.memory_space<hbm>> -> memref<8192xf32, #tpu.memory_space<hbm>>
            tpu.wait_dma2 semaphore(%run_scoped3A : memref<!tpu.dma_semaphore, #tpu.memory_space<semaphore_mem>>) src(%dma_wait3A_694 : memref<8192xf32, #tpu.memory_space<hbm>>) dst(%dma_wait3A_693 : memref<8192xf32, #tpu.memory_space<vmem>>)
            tpu.yield
          }) : () -> ()
          scf.yield %min3A_684 : i32
        } else {
          scf.yield %while3A_468 : i32
        }
        %sub3A_484 = arith.subi %while3A_467, %cond3A_483 : i32
        %add3A_485 = arith.constant 0 : i32
        %add3A_486 = arith.addi %sub3A_484, %add3A_485 : i32
        %get3A_487 = arith.index_cast %add3A_486 : i32 to index
        %get3A_488 = tpu.vector_load %arg10[%get3A_487] {strides = array<i32>} : memref<8256xi32, #tpu.memory_space<vmem>>, vector<16xi32>,
        %add3A_489 = arith.constant 16 : i32
        %add3A_490 = arith.addi %sub3A_484, %add3A_489 : i32
        %get3A_491 = arith.index_cast %add3A_490 : i32 to index
        %get3A_492 = tpu.vector_load %arg10[%get3A_491] {strides = array<i32>} : memref<8256xi32, #tpu.memory_space<vmem>>, vector<16xi32>,
        %add3A_493 = arith.constant 32 : i32
        %add3A_494 = arith.addi %sub3A_484, %add3A_493 : i32
        %get3A_495 = arith.index_cast %add3A_494 : i32 to index
        %get3A_496 = tpu.vector_load %arg10[%get3A_495] {strides = array<i32>} : memref<8256xi32, #tpu.memory_space<vmem>>, vector<16xi32>,
        %add3A_497 = arith.constant 48 : i32
        %add3A_498 = arith.addi %sub3A_484, %add3A_497 : i32
        %get3A_499 = arith.index_cast %add3A_498 : i32 to index
        %get3A_500 = tpu.vector_load %arg10[%get3A_499] {strides = array<i32>} : memref<8256xi32, #tpu.memory_space<vmem>>, vector<16xi32>,
        %add3A_501 = arith.constant 0 : i32
        %add3A_502 = arith.addi %sub3A_484, %add3A_501 : i32
        %get3A_503 = arith.index_cast %add3A_502 : i32 to index
        %get3A_504 = tpu.vector_load %arg11[%get3A_503] {strides = array<i32>} : memref<8256xf32, #tpu.memory_space<vmem>>, vector<16xf32>,
        %add3A_505 = arith.constant 16 : i32
        %add3A_506 = arith.addi %sub3A_484, %add3A_505 : i32
        %get3A_507 = arith.index_cast %add3A_506 : i32 to index
        %get3A_508 = tpu.vector_load %arg11[%get3A_507] {strides = array<i32>} : memref<8256xf32, #tpu.memory_space<vmem>>, vector<16xf32>,
        %add3A_509 = arith.constant 32 : i32
        %add3A_510 = arith.addi %sub3A_484, %add3A_509 : i32
        %get3A_511 = arith.index_cast %add3A_510 : i32 to index
        %get3A_512 = tpu.vector_load %arg11[%get3A_511] {strides = array<i32>} : memref<8256xf32, #tpu.memory_space<vmem>>, vector<16xf32>,
        %add3A_513 = arith.constant 48 : i32
        %add3A_514 = arith.addi %sub3A_484, %add3A_513 : i32
        %get3A_515 = arith.index_cast %add3A_514 : i32 to index
        %get3A_516 = tpu.vector_load %arg11[%get3A_515] {strides = array<i32>} : memref<8256xf32, #tpu.memory_space<vmem>>, vector<16xf32>,
        %add3A_517 = arith.constant 0 : i32
        %add3A_518 = arith.addi %sub3A_484, %add3A_517 : i32
        %get3A_519 = arith.index_cast %add3A_518 : i32 to index
        %get3A_520 = tpu.vector_load %arg12[%get3A_519] {strides = array<i32>} : memref<8256xf32, #tpu.memory_space<vmem>>, vector<16xf32>,
        %add3A_521 = arith.constant 16 : i32
        %add3A_522 = arith.addi %sub3A_484, %add3A_521 : i32
        %get3A_523 = arith.index_cast %add3A_522 : i32 to index
        %get3A_524 = tpu.vector_load %arg12[%get3A_523] {strides = array<i32>} : memref<8256xf32, #tpu.memory_space<vmem>>, vector<16xf32>,
        %add3A_525 = arith.constant 32 : i32
        %add3A_526 = arith.addi %sub3A_484, %add3A_525 : i32
        %get3A_527 = arith.index_cast %add3A_526 : i32 to index
        %get3A_528 = tpu.vector_load %arg12[%get3A_527] {strides = array<i32>} : memref<8256xf32, #tpu.memory_space<vmem>>, vector<16xf32>,
        %add3A_529 = arith.constant 48 : i32
        %add3A_530 = arith.addi %sub3A_484, %add3A_529 : i32
        %get3A_531 = arith.index_cast %add3A_530 : i32 to index
        %get3A_532 = tpu.vector_load %arg12[%get3A_531] {strides = array<i32>} : memref<8256xf32, #tpu.memory_space<vmem>>, vector<16xf32>,
        %eq3A_533 = vector.broadcast %add3A_61 : i32 to vector<16xi32>
        %eq3A_534 = arith.cmpi eq, %get3A_488, %eq3A_533 : vector<16xi32>
        %eq3A_535 = vector.broadcast %add3A_61 : i32 to vector<16xi32>
        %eq3A_536 = arith.cmpi eq, %get3A_492, %eq3A_535 : vector<16xi32>
        %eq3A_537 = vector.broadcast %add3A_61 : i32 to vector<16xi32>
        %eq3A_538 = arith.cmpi eq, %get3A_496, %eq3A_537 : vector<16xi32>
        %eq3A_539 = vector.broadcast %add3A_61 : i32 to vector<16xi32>
        %eq3A_540 = arith.cmpi eq, %get3A_500, %eq3A_539 : vector<16xi32>
        %jit3A_541 = arith.constant -1.000000e+00 : f32
        %broadcast_in_dim3A_542 = vector.broadcast %jit3A_541 : f32 to vector<16xf32>
        %select_n3A_543 = arith.select %eq3A_534, %get3A_504, %broadcast_in_dim3A_542 : vector<16xi1>, vector<16xf32>
        %jit3A_544 = arith.constant -1.000000e+00 : f32
        %broadcast_in_dim3A_545 = vector.broadcast %jit3A_544 : f32 to vector<16xf32>
        %select_n3A_546 = arith.select %eq3A_536, %get3A_508, %broadcast_in_dim3A_545 : vector<16xi1>, vector<16xf32>
        %jit3A_547 = arith.constant -1.000000e+00 : f32
        %broadcast_in_dim3A_548 = vector.broadcast %jit3A_547 : f32 to vector<16xf32>
        %select_n3A_549 = arith.select %eq3A_538, %get3A_512, %broadcast_in_dim3A_548 : vector<16xi1>, vector<16xf32>
        %jit3A_550 = arith.constant -1.000000e+00 : f32
        %broadcast_in_dim3A_551 = vector.broadcast %jit3A_550 : f32 to vector<16xf32>
        %select_n3A_552 = arith.select %eq3A_540, %get3A_516, %broadcast_in_dim3A_551 : vector<16xi1>, vector<16xf32>
        %jit3A_553 = arith.constant 0.000000e+00 : f32
        %broadcast_in_dim3A_554 = vector.broadcast %jit3A_553 : f32 to vector<16xf32>
        %select_n3A_555 = arith.select %eq3A_534, %get3A_520, %broadcast_in_dim3A_554 : vector<16xi1>, vector<16xf32>
        %jit3A_556 = arith.constant 0.000000e+00 : f32
        %broadcast_in_dim3A_557 = vector.broadcast %jit3A_556 : f32 to vector<16xf32>
        %select_n3A_558 = arith.select %eq3A_536, %get3A_524, %broadcast_in_dim3A_557 : vector<16xi1>, vector<16xf32>
        %jit3A_559 = arith.constant 0.000000e+00 : f32
        %broadcast_in_dim3A_560 = vector.broadcast %jit3A_559 : f32 to vector<16xf32>
        %select_n3A_561 = arith.select %eq3A_538, %get3A_528, %broadcast_in_dim3A_560 : vector<16xi1>, vector<16xf32>
        %jit3A_562 = arith.constant 0.000000e+00 : f32
        %broadcast_in_dim3A_563 = vector.broadcast %jit3A_562 : f32 to vector<16xf32>
        %select_n3A_564 = arith.select %eq3A_540, %get3A_532, %broadcast_in_dim3A_563 : vector<16xi1>, vector<16xf32>
        %jit3A_565 = arith.constant -1.000000e+00 : f32
        %broadcast_in_dim3A_566 = vector.broadcast %jit3A_565 : f32 to vector<16xf32>
        %select_n3A_567 = arith.select %eq3A_534, %get3A_520, %broadcast_in_dim3A_566 : vector<16xi1>, vector<16xf32>
        %jit3A_568 = arith.constant -1.000000e+00 : f32
        %broadcast_in_dim3A_569 = vector.broadcast %jit3A_568 : f32 to vector<16xf32>
        %select_n3A_570 = arith.select %eq3A_536, %get3A_524, %broadcast_in_dim3A_569 : vector<16xi1>, vector<16xf32>
        %jit3A_571 = arith.constant -1.000000e+00 : f32
        %broadcast_in_dim3A_572 = vector.broadcast %jit3A_571 : f32 to vector<16xf32>
        %select_n3A_573 = arith.select %eq3A_538, %get3A_528, %broadcast_in_dim3A_572 : vector<16xi1>, vector<16xf32>
        %jit3A_574 = arith.constant -1.000000e+00 : f32
        %broadcast_in_dim3A_575 = vector.broadcast %jit3A_574 : f32 to vector<16xf32>
        %select_n3A_576 = arith.select %eq3A_540, %get3A_532, %broadcast_in_dim3A_575 : vector<16xi1>, vector<16xf32>
        %slice3A_577 = vector.extract_strided_slice %get3A_500 {offsets = [15], sizes = [1], strides = [1]} : vector<16xi32> to vector<1xi32>
        %squeeze3A_578 = vector.extract %slice3A_577[0] : i32 from vector<1xi32>
        %eq3A_579 = arith.cmpi eq, %squeeze3A_578, %add3A_61 : i32
        %masked_sort3A_580 = arith.constant dense<true> : vector<16xi1>
        %masked_sort3A_581, %masked_sort3A_582, %masked_sort3A_583 = tpu.sort %select_n3A_543, %select_n3A_555 masked %masked_sort3A_580 : (vector<16xf32>, vector<16xf32>, vector<16xi1>) -> (vector<16xi1>, vector<16xf32>, vector<16xf32>)
        %masked_sort3A_584 = arith.constant dense<true> : vector<16xi1>
        %masked_sort3A_585, %masked_sort3A_586, %masked_sort3A_587 = tpu.sort %select_n3A_546, %select_n3A_558 masked %masked_sort3A_584 {descending = true} : (vector<16xf32>, vector<16xf32>, vector<16xi1>) -> (vector<16xi1>, vector<16xf32>, vector<16xf32>)
        %masked_sort3A_588 = arith.constant dense<true> : vector<16xi1>
        %masked_sort3A_589, %masked_sort3A_590, %masked_sort3A_591 = tpu.sort %select_n3A_549, %select_n3A_561 masked %masked_sort3A_588 : (vector<16xf32>, vector<16xf32>, vector<16xi1>) -> (vector<16xi1>, vector<16xf32>, vector<16xf32>)
        %masked_sort3A_592 = arith.constant dense<true> : vector<16xi1>
        %masked_sort3A_593, %masked_sort3A_594, %masked_sort3A_595 = tpu.sort %select_n3A_552, %select_n3A_564 masked %masked_sort3A_592 {descending = true} : (vector<16xf32>, vector<16xf32>, vector<16xi1>) -> (vector<16xi1>, vector<16xf32>, vector<16xf32>)
        %ge3A_596 = arith.cmpf oge, %masked_sort3A_586, %masked_sort3A_582 : vector<16xf32>
        %select_n3A_597 = arith.select %ge3A_596, %masked_sort3A_586, %masked_sort3A_582 : vector<16xi1>, vector<16xf32>
        %select_n3A_598 = arith.select %ge3A_596, %masked_sort3A_587, %masked_sort3A_583 : vector<16xi1>, vector<16xf32>
        %masked_sort3A_599 = arith.constant dense<true> : vector<16xi1>
        %masked_sort3A_600, %masked_sort3A_601, %masked_sort3A_602 = tpu.sort %select_n3A_597, %select_n3A_598 masked %masked_sort3A_599 : (vector<16xf32>, vector<16xf32>, vector<16xi1>) -> (vector<16xi1>, vector<16xf32>, vector<16xf32>)
        %ge3A_603 = arith.cmpf oge, %masked_sort3A_594, %masked_sort3A_590 : vector<16xf32>
        %select_n3A_604 = arith.select %ge3A_603, %masked_sort3A_594, %masked_sort3A_590 : vector<16xi1>, vector<16xf32>
        %select_n3A_605 = arith.select %ge3A_603, %masked_sort3A_595, %masked_sort3A_591 : vector<16xi1>, vector<16xf32>
        %masked_sort3A_606 = arith.constant dense<true> : vector<16xi1>
        %masked_sort3A_607, %masked_sort3A_608, %masked_sort3A_609 = tpu.sort %select_n3A_604, %select_n3A_605 masked %masked_sort3A_606 {descending = true} : (vector<16xf32>, vector<16xf32>, vector<16xi1>) -> (vector<16xi1>, vector<16xf32>, vector<16xf32>)
        %ge3A_610 = arith.cmpf oge, %masked_sort3A_608, %masked_sort3A_601 : vector<16xf32>
        %select_n3A_611 = arith.select %ge3A_610, %masked_sort3A_608, %masked_sort3A_601 : vector<16xi1>, vector<16xf32>
        %select_n3A_612 = arith.select %ge3A_610, %masked_sort3A_609, %masked_sort3A_602 : vector<16xi1>, vector<16xf32>
        %masked_sort3A_613 = arith.constant dense<true> : vector<16xi1>
        %masked_sort3A_614, %masked_sort3A_615, %masked_sort3A_616 = tpu.sort %select_n3A_611, %select_n3A_612 masked %masked_sort3A_613 : (vector<16xf32>, vector<16xf32>, vector<16xi1>) -> (vector<16xi1>, vector<16xf32>, vector<16xf32>)
        %ge3A_617 = arith.cmpf oge, %while3A_469, %masked_sort3A_615 : vector<16xf32>
        %select_n3A_618 = arith.select %ge3A_617, %while3A_469, %masked_sort3A_615 : vector<16xi1>, vector<16xf32>
        %select_n3A_619 = arith.select %ge3A_617, %while3A_470, %masked_sort3A_616 : vector<16xi1>, vector<16xf32>
        %masked_sort3A_620 = arith.constant dense<true> : vector<16xi1>
        %masked_sort3A_621, %masked_sort3A_622, %masked_sort3A_623 = tpu.sort %select_n3A_618, %select_n3A_619 masked %masked_sort3A_620 {descending = true} : (vector<16xf32>, vector<16xf32>, vector<16xi1>) -> (vector<16xi1>, vector<16xf32>, vector<16xf32>)
        %masked_sort3A_624 = arith.constant dense<true> : vector<16xi1>
        %masked_sort3A_625, %masked_sort3A_626, %masked_sort3A_627 = tpu.sort %select_n3A_567, %select_n3A_567 masked %masked_sort3A_624 : (vector<16xf32>, vector<16xf32>, vector<16xi1>) -> (vector<16xi1>, vector<16xf32>, vector<16xf32>)
        %masked_sort3A_628 = arith.constant dense<true> : vector<16xi1>
        %masked_sort3A_629, %masked_sort3A_630, %masked_sort3A_631 = tpu.sort %select_n3A_570, %select_n3A_570 masked %masked_sort3A_628 {descending = true} : (vector<16xf32>, vector<16xf32>, vector<16xi1>) -> (vector<16xi1>, vector<16xf32>, vector<16xf32>)
        %masked_sort3A_632 = arith.constant dense<true> : vector<16xi1>
        %masked_sort3A_633, %masked_sort3A_634, %masked_sort3A_635 = tpu.sort %select_n3A_573, %select_n3A_573 masked %masked_sort3A_632 : (vector<16xf32>, vector<16xf32>, vector<16xi1>) -> (vector<16xi1>, vector<16xf32>, vector<16xf32>)
        %masked_sort3A_636 = arith.constant dense<true> : vector<16xi1>
        %masked_sort3A_637, %masked_sort3A_638, %masked_sort3A_639 = tpu.sort %select_n3A_576, %select_n3A_576 masked %masked_sort3A_636 {descending = true} : (vector<16xf32>, vector<16xf32>, vector<16xi1>) -> (vector<16xi1>, vector<16xf32>, vector<16xf32>)
        %max3A_640 = arith.maximumf %masked_sort3A_630, %masked_sort3A_626 : vector<16xf32>
        %masked_sort3A_641 = arith.constant dense<true> : vector<16xi1>
        %masked_sort3A_642, %masked_sort3A_643, %masked_sort3A_644 = tpu.sort %max3A_640, %max3A_640 masked %masked_sort3A_641 : (vector<16xf32>, vector<16xf32>, vector<16xi1>) -> (vector<16xi1>, vector<16xf32>, vector<16xf32>)
        %max3A_645 = arith.maximumf %masked_sort3A_638, %masked_sort3A_634 : vector<16xf32>
        %masked_sort3A_646 = arith.constant dense<true> : vector<16xi1>
        %masked_sort3A_647, %masked_sort3A_648, %masked_sort3A_649 = tpu.sort %max3A_645, %max3A_645 masked %masked_sort3A_646 {descending = true} : (vector<16xf32>, vector<16xf32>, vector<16xi1>) -> (vector<16xi1>, vector<16xf32>, vector<16xf32>)
        %max3A_650 = arith.maximumf %masked_sort3A_648, %masked_sort3A_643 : vector<16xf32>
        %masked_sort3A_651 = arith.constant dense<true> : vector<16xi1>
        %masked_sort3A_652, %masked_sort3A_653, %masked_sort3A_654 = tpu.sort %max3A_650, %max3A_650 masked %masked_sort3A_651 : (vector<16xf32>, vector<16xf32>, vector<16xi1>) -> (vector<16xi1>, vector<16xf32>, vector<16xf32>)
        %max3A_655 = arith.maximumf %while3A_471, %masked_sort3A_653 : vector<16xf32>
        %masked_sort3A_656 = arith.constant dense<true> : vector<16xi1>
        %masked_sort3A_657, %masked_sort3A_658, %masked_sort3A_659 = tpu.sort %max3A_655, %max3A_655 masked %masked_sort3A_656 {descending = true} : (vector<16xf32>, vector<16xf32>, vector<16xi1>) -> (vector<16xi1>, vector<16xf32>, vector<16xf32>)
        %add3A_660 = arith.constant 64 : i32
        %add3A_661 = arith.addi %while3A_467, %add3A_660 : i32
        scf.yield %eq3A_579, %add3A_661, %cond3A_483, %masked_sort3A_622, %masked_sort3A_623, %masked_sort3A_658 : i1, i32, i32, vector<16xf32>, vector<16xf32>, vector<16xf32>
      }
      %add3A_410 = arith.constant 64 : i32
      %add3A_411 = arith.addi %squeeze3A_58, %add3A_410 : i32
      %while3A_412:6 = scf.while (%while3A_466 = %eq3A_274, %while3A_467 = %add3A_411, %while3A_468 = %while3A#2, %while3A_469 = %masked_sort3A_375, %while3A_470 = %masked_sort3A_376, %while3A_471 = %masked_sort3A_406) : (i1, i32, i32, vector<16xf32>, vector<16xf32>, vector<16xf32>) -> (i1, i32, i32, vector<16xf32>, vector<16xf32>, vector<16xf32>) {
        scf.condition(%while3A_466) %while3A_466, %while3A_467, %while3A_468, %while3A_469, %while3A_470, %while3A_471 : i1, i32, i32, vector<16xf32>, vector<16xf32>, vector<16xf32>
      } do {
      ^bb0(%while3A_466: i1, %while3A_467: i32, %while3A_468: i32, %while3A_469: vector<16xf32>, %while3A_470: vector<16xf32>, %while3A_471: vector<16xf32>):
        %lt3A_472 = arith.cmpi slt, %while3A_467, %while3A_468 : i32
        %add3A_473 = arith.constant 64 : i32
        %add3A_474 = arith.addi %while3A_467, %add3A_473 : i32
        %add3A_475 = arith.constant 8192 : i32
        %add3A_476 = arith.addi %while3A_468, %add3A_475 : i32
        %gt3A_477 = arith.cmpi sgt, %add3A_474, %add3A_476 : i32
        %or3A_478 = arith.ori %lt3A_472, %gt3A_477 : i1
        %convert_element_type3A_479 = arith.extui %or3A_478 : i1 to i32
        %cond3A_480 = arith.constant 0 : i32
        %cond3A_481 = arith.constant 0 : i32
        %cond3A_482 = arith.cmpi ne, %convert_element_type3A_479, %cond3A_481 : i32
        %cond3A_483 = scf.if %cond3A_482 -> (i32) {
          %jit3A_662 = arith.constant 8 : i32
          %div3A_663 = arith.divsi %while3A_467, %jit3A_662 : i32
          %sign3A = arith.constant 0 : i32
          %sign3A_664 = arith.cmpi sgt, %while3A_467, %sign3A : i32
          %sign3A_665 = arith.extui %sign3A_664 : i1 to i32
          %sign3A_666 = arith.constant 0 : i32
          %sign3A_667 = arith.cmpi slt, %while3A_467, %sign3A_666 : i32
          %sign3A_668 = arith.extui %sign3A_667 : i1 to i32
          %sign3A_669 = arith.subi %sign3A_665, %sign3A_668 : i32
          %sign3A_670 = arith.constant 0 : i32
          %sign3A_671 = arith.cmpi sgt, %jit3A_662, %sign3A_670 : i32
          %sign3A_672 = arith.extui %sign3A_671 : i1 to i32
          %sign3A_673 = arith.constant 0 : i32
          %sign3A_674 = arith.cmpi slt, %jit3A_662, %sign3A_673 : i32
          %sign3A_675 = arith.extui %sign3A_674 : i1 to i32
          %sign3A_676 = arith.subi %sign3A_672, %sign3A_675 : i32
          %ne3A = arith.cmpi ne, %sign3A_669, %sign3A_676 : i32
          %rem3A = arith.remsi %while3A_467, %jit3A_662 : i32
          %ne3A_677 = arith.constant 0 : i32
          %ne3A_678 = arith.cmpi ne, %rem3A, %ne3A_677 : i32
          %and3A = arith.andi %ne3A, %ne3A_678 : i1
          %sub3A_679 = arith.constant 1 : i32
          %sub3A_680 = arith.subi %div3A_663, %sub3A_679 : i32
          %select_n3A_681 = arith.select %and3A, %sub3A_680, %div3A_663 : i32
          %mul3A_682 = arith.constant 8 : i32
          %mul3A_683 = arith.muli %select_n3A_681, %mul3A_682 : i32
          %min3A = arith.constant 811008 : i32
          %min3A_684 = arith.minsi %mul3A_683, %min3A : i32
          "tpu.region"() ({
            %run_scoped3A = tpu.sem_alloc : memref<!tpu.dma_semaphore, #tpu.memory_space<semaphore_mem>>
            %dma_start3A = arith.constant 0 : i32
            %dma_start3A_685 = tpu.memref_slice %arg10[%dma_start3A] : memref<8256xi32, #tpu.memory_space<vmem>> -> memref<8192xi32, #tpu.memory_space<vmem>>
            %dma_start3A_686 = tpu.memref_slice %arg3[%min3A_684] : memref<819200xi32, #tpu.memory_space<hbm>> -> memref<8192xi32, #tpu.memory_space<hbm>>
            %dma_start3A_687 = arith.constant 0 : i32
            %dma_start3A_688 = tpu.memref_slice %arg10[%dma_start3A_687] : memref<8256xi32, #tpu.memory_space<vmem>> -> memref<8192xi32, #tpu.memory_space<vmem>>
            %dma_start3A_689 = tpu.memref_slice %arg3[%min3A_684] : memref<819200xi32, #tpu.memory_space<hbm>> -> memref<8192xi32, #tpu.memory_space<hbm>>
            tpu.enqueue_dma source(%dma_start3A_689 : memref<8192xi32, #tpu.memory_space<hbm>>) target(%dma_start3A_688 : memref<8192xi32, #tpu.memory_space<vmem>>) target_semaphore(%run_scoped3A : memref<!tpu.dma_semaphore, #tpu.memory_space<semaphore_mem>>)
            %dma_wait3A = arith.constant 0 : i32
            %dma_wait3A_690 = tpu.memref_slice %arg10[%dma_wait3A] : memref<8256xi32, #tpu.memory_space<vmem>> -> memref<8192xi32, #tpu.memory_space<vmem>>
            %dma_wait3A_691 = tpu.memref_slice %arg3[%min3A_684] : memref<819200xi32, #tpu.memory_space<hbm>> -> memref<8192xi32, #tpu.memory_space<hbm>>
            %dma_wait3A_692 = arith.constant 0 : i32
            %dma_wait3A_693 = tpu.memref_slice %arg10[%dma_wait3A_692] : memref<8256xi32, #tpu.memory_space<vmem>> -> memref<8192xi32, #tpu.memory_space<vmem>>
            %dma_wait3A_694 = tpu.memref_slice %arg3[%min3A_684] : memref<819200xi32, #tpu.memory_space<hbm>> -> memref<8192xi32, #tpu.memory_space<hbm>>
            tpu.wait_dma2 semaphore(%run_scoped3A : memref<!tpu.dma_semaphore, #tpu.memory_space<semaphore_mem>>) src(%dma_wait3A_694 : memref<8192xi32, #tpu.memory_space<hbm>>) dst(%dma_wait3A_693 : memref<8192xi32, #tpu.memory_space<vmem>>)
            tpu.yield
          }) : () -> ()
          "tpu.region"() ({
            %run_scoped3A = tpu.sem_alloc : memref<!tpu.dma_semaphore, #tpu.memory_space<semaphore_mem>>
            %dma_start3A = arith.constant 0 : i32
            %dma_start3A_685 = tpu.memref_slice %arg11[%dma_start3A] : memref<8256xf32, #tpu.memory_space<vmem>> -> memref<8192xf32, #tpu.memory_space<vmem>>
            %dma_start3A_686 = tpu.memref_slice %arg4[%min3A_684] : memref<819200xf32, #tpu.memory_space<hbm>> -> memref<8192xf32, #tpu.memory_space<hbm>>
            %dma_start3A_687 = arith.constant 0 : i32
            %dma_start3A_688 = tpu.memref_slice %arg11[%dma_start3A_687] : memref<8256xf32, #tpu.memory_space<vmem>> -> memref<8192xf32, #tpu.memory_space<vmem>>
            %dma_start3A_689 = tpu.memref_slice %arg4[%min3A_684] : memref<819200xf32, #tpu.memory_space<hbm>> -> memref<8192xf32, #tpu.memory_space<hbm>>
            tpu.enqueue_dma source(%dma_start3A_689 : memref<8192xf32, #tpu.memory_space<hbm>>) target(%dma_start3A_688 : memref<8192xf32, #tpu.memory_space<vmem>>) target_semaphore(%run_scoped3A : memref<!tpu.dma_semaphore, #tpu.memory_space<semaphore_mem>>)
            %dma_wait3A = arith.constant 0 : i32
            %dma_wait3A_690 = tpu.memref_slice %arg11[%dma_wait3A] : memref<8256xf32, #tpu.memory_space<vmem>> -> memref<8192xf32, #tpu.memory_space<vmem>>
            %dma_wait3A_691 = tpu.memref_slice %arg4[%min3A_684] : memref<819200xf32, #tpu.memory_space<hbm>> -> memref<8192xf32, #tpu.memory_space<hbm>>
            %dma_wait3A_692 = arith.constant 0 : i32
            %dma_wait3A_693 = tpu.memref_slice %arg11[%dma_wait3A_692] : memref<8256xf32, #tpu.memory_space<vmem>> -> memref<8192xf32, #tpu.memory_space<vmem>>
            %dma_wait3A_694 = tpu.memref_slice %arg4[%min3A_684] : memref<819200xf32, #tpu.memory_space<hbm>> -> memref<8192xf32, #tpu.memory_space<hbm>>
            tpu.wait_dma2 semaphore(%run_scoped3A : memref<!tpu.dma_semaphore, #tpu.memory_space<semaphore_mem>>) src(%dma_wait3A_694 : memref<8192xf32, #tpu.memory_space<hbm>>) dst(%dma_wait3A_693 : memref<8192xf32, #tpu.memory_space<vmem>>)
            tpu.yield
          }) : () -> ()
          "tpu.region"() ({
            %run_scoped3A = tpu.sem_alloc : memref<!tpu.dma_semaphore, #tpu.memory_space<semaphore_mem>>
            %dma_start3A = arith.constant 0 : i32
            %dma_start3A_685 = tpu.memref_slice %arg12[%dma_start3A] : memref<8256xf32, #tpu.memory_space<vmem>> -> memref<8192xf32, #tpu.memory_space<vmem>>
            %dma_start3A_686 = tpu.memref_slice %arg5[%min3A_684] : memref<819200xf32, #tpu.memory_space<hbm>> -> memref<8192xf32, #tpu.memory_space<hbm>>
            %dma_start3A_687 = arith.constant 0 : i32
            %dma_start3A_688 = tpu.memref_slice %arg12[%dma_start3A_687] : memref<8256xf32, #tpu.memory_space<vmem>> -> memref<8192xf32, #tpu.memory_space<vmem>>
            %dma_start3A_689 = tpu.memref_slice %arg5[%min3A_684] : memref<819200xf32, #tpu.memory_space<hbm>> -> memref<8192xf32, #tpu.memory_space<hbm>>
            tpu.enqueue_dma source(%dma_start3A_689 : memref<8192xf32, #tpu.memory_space<hbm>>) target(%dma_start3A_688 : memref<8192xf32, #tpu.memory_space<vmem>>) target_semaphore(%run_scoped3A : memref<!tpu.dma_semaphore, #tpu.memory_space<semaphore_mem>>)
            %dma_wait3A = arith.constant 0 : i32
            %dma_wait3A_690 = tpu.memref_slice %arg12[%dma_wait3A] : memref<8256xf32, #tpu.memory_space<vmem>> -> memref<8192xf32, #tpu.memory_space<vmem>>
            %dma_wait3A_691 = tpu.memref_slice %arg5[%min3A_684] : memref<819200xf32, #tpu.memory_space<hbm>> -> memref<8192xf32, #tpu.memory_space<hbm>>
            %dma_wait3A_692 = arith.constant 0 : i32
            %dma_wait3A_693 = tpu.memref_slice %arg12[%dma_wait3A_692] : memref<8256xf32, #tpu.memory_space<vmem>> -> memref<8192xf32, #tpu.memory_space<vmem>>
            %dma_wait3A_694 = tpu.memref_slice %arg5[%min3A_684] : memref<819200xf32, #tpu.memory_space<hbm>> -> memref<8192xf32, #tpu.memory_space<hbm>>
            tpu.wait_dma2 semaphore(%run_scoped3A : memref<!tpu.dma_semaphore, #tpu.memory_space<semaphore_mem>>) src(%dma_wait3A_694 : memref<8192xf32, #tpu.memory_space<hbm>>) dst(%dma_wait3A_693 : memref<8192xf32, #tpu.memory_space<vmem>>)
            tpu.yield
          }) : () -> ()
          scf.yield %min3A_684 : i32
        } else {
          scf.yield %while3A_468 : i32
        }
        %sub3A_484 = arith.subi %while3A_467, %cond3A_483 : i32
        %add3A_485 = arith.constant 0 : i32
        %add3A_486 = arith.addi %sub3A_484, %add3A_485 : i32
        %get3A_487 = arith.index_cast %add3A_486 : i32 to index
        %get3A_488 = tpu.vector_load %arg10[%get3A_487] {strides = array<i32>} : memref<8256xi32, #tpu.memory_space<vmem>>, vector<16xi32>,
        %add3A_489 = arith.constant 16 : i32
        %add3A_490 = arith.addi %sub3A_484, %add3A_489 : i32
        %get3A_491 = arith.index_cast %add3A_490 : i32 to index
        %get3A_492 = tpu.vector_load %arg10[%get3A_491] {strides = array<i32>} : memref<8256xi32, #tpu.memory_space<vmem>>, vector<16xi32>,
        %add3A_493 = arith.constant 32 : i32
        %add3A_494 = arith.addi %sub3A_484, %add3A_493 : i32
        %get3A_495 = arith.index_cast %add3A_494 : i32 to index
        %get3A_496 = tpu.vector_load %arg10[%get3A_495] {strides = array<i32>} : memref<8256xi32, #tpu.memory_space<vmem>>, vector<16xi32>,
        %add3A_497 = arith.constant 48 : i32
        %add3A_498 = arith.addi %sub3A_484, %add3A_497 : i32
        %get3A_499 = arith.index_cast %add3A_498 : i32 to index
        %get3A_500 = tpu.vector_load %arg10[%get3A_499] {strides = array<i32>} : memref<8256xi32, #tpu.memory_space<vmem>>, vector<16xi32>,
        %add3A_501 = arith.constant 0 : i32
        %add3A_502 = arith.addi %sub3A_484, %add3A_501 : i32
        %get3A_503 = arith.index_cast %add3A_502 : i32 to index
        %get3A_504 = tpu.vector_load %arg11[%get3A_503] {strides = array<i32>} : memref<8256xf32, #tpu.memory_space<vmem>>, vector<16xf32>,
        %add3A_505 = arith.constant 16 : i32
        %add3A_506 = arith.addi %sub3A_484, %add3A_505 : i32
        %get3A_507 = arith.index_cast %add3A_506 : i32 to index
        %get3A_508 = tpu.vector_load %arg11[%get3A_507] {strides = array<i32>} : memref<8256xf32, #tpu.memory_space<vmem>>, vector<16xf32>,
        %add3A_509 = arith.constant 32 : i32
        %add3A_510 = arith.addi %sub3A_484, %add3A_509 : i32
        %get3A_511 = arith.index_cast %add3A_510 : i32 to index
        %get3A_512 = tpu.vector_load %arg11[%get3A_511] {strides = array<i32>} : memref<8256xf32, #tpu.memory_space<vmem>>, vector<16xf32>,
        %add3A_513 = arith.constant 48 : i32
        %add3A_514 = arith.addi %sub3A_484, %add3A_513 : i32
        %get3A_515 = arith.index_cast %add3A_514 : i32 to index
        %get3A_516 = tpu.vector_load %arg11[%get3A_515] {strides = array<i32>} : memref<8256xf32, #tpu.memory_space<vmem>>, vector<16xf32>,
        %add3A_517 = arith.constant 0 : i32
        %add3A_518 = arith.addi %sub3A_484, %add3A_517 : i32
        %get3A_519 = arith.index_cast %add3A_518 : i32 to index
        %get3A_520 = tpu.vector_load %arg12[%get3A_519] {strides = array<i32>} : memref<8256xf32, #tpu.memory_space<vmem>>, vector<16xf32>,
        %add3A_521 = arith.constant 16 : i32
        %add3A_522 = arith.addi %sub3A_484, %add3A_521 : i32
        %get3A_523 = arith.index_cast %add3A_522 : i32 to index
        %get3A_524 = tpu.vector_load %arg12[%get3A_523] {strides = array<i32>} : memref<8256xf32, #tpu.memory_space<vmem>>, vector<16xf32>,
        %add3A_525 = arith.constant 32 : i32
        %add3A_526 = arith.addi %sub3A_484, %add3A_525 : i32
        %get3A_527 = arith.index_cast %add3A_526 : i32 to index
        %get3A_528 = tpu.vector_load %arg12[%get3A_527] {strides = array<i32>} : memref<8256xf32, #tpu.memory_space<vmem>>, vector<16xf32>,
        %add3A_529 = arith.constant 48 : i32
        %add3A_530 = arith.addi %sub3A_484, %add3A_529 : i32
        %get3A_531 = arith.index_cast %add3A_530 : i32 to index
        %get3A_532 = tpu.vector_load %arg12[%get3A_531] {strides = array<i32>} : memref<8256xf32, #tpu.memory_space<vmem>>, vector<16xf32>,
        %eq3A_533 = vector.broadcast %add3A_63 : i32 to vector<16xi32>
        %eq3A_534 = arith.cmpi eq, %get3A_488, %eq3A_533 : vector<16xi32>
        %eq3A_535 = vector.broadcast %add3A_63 : i32 to vector<16xi32>
        %eq3A_536 = arith.cmpi eq, %get3A_492, %eq3A_535 : vector<16xi32>
        %eq3A_537 = vector.broadcast %add3A_63 : i32 to vector<16xi32>
        %eq3A_538 = arith.cmpi eq, %get3A_496, %eq3A_537 : vector<16xi32>
        %eq3A_539 = vector.broadcast %add3A_63 : i32 to vector<16xi32>
        %eq3A_540 = arith.cmpi eq, %get3A_500, %eq3A_539 : vector<16xi32>
        %jit3A_541 = arith.constant -1.000000e+00 : f32
        %broadcast_in_dim3A_542 = vector.broadcast %jit3A_541 : f32 to vector<16xf32>
        %select_n3A_543 = arith.select %eq3A_534, %get3A_504, %broadcast_in_dim3A_542 : vector<16xi1>, vector<16xf32>
        %jit3A_544 = arith.constant -1.000000e+00 : f32
        %broadcast_in_dim3A_545 = vector.broadcast %jit3A_544 : f32 to vector<16xf32>
        %select_n3A_546 = arith.select %eq3A_536, %get3A_508, %broadcast_in_dim3A_545 : vector<16xi1>, vector<16xf32>
        %jit3A_547 = arith.constant -1.000000e+00 : f32
        %broadcast_in_dim3A_548 = vector.broadcast %jit3A_547 : f32 to vector<16xf32>
        %select_n3A_549 = arith.select %eq3A_538, %get3A_512, %broadcast_in_dim3A_548 : vector<16xi1>, vector<16xf32>
        %jit3A_550 = arith.constant -1.000000e+00 : f32
        %broadcast_in_dim3A_551 = vector.broadcast %jit3A_550 : f32 to vector<16xf32>
        %select_n3A_552 = arith.select %eq3A_540, %get3A_516, %broadcast_in_dim3A_551 : vector<16xi1>, vector<16xf32>
        %jit3A_553 = arith.constant 0.000000e+00 : f32
        %broadcast_in_dim3A_554 = vector.broadcast %jit3A_553 : f32 to vector<16xf32>
        %select_n3A_555 = arith.select %eq3A_534, %get3A_520, %broadcast_in_dim3A_554 : vector<16xi1>, vector<16xf32>
        %jit3A_556 = arith.constant 0.000000e+00 : f32
        %broadcast_in_dim3A_557 = vector.broadcast %jit3A_556 : f32 to vector<16xf32>
        %select_n3A_558 = arith.select %eq3A_536, %get3A_524, %broadcast_in_dim3A_557 : vector<16xi1>, vector<16xf32>
        %jit3A_559 = arith.constant 0.000000e+00 : f32
        %broadcast_in_dim3A_560 = vector.broadcast %jit3A_559 : f32 to vector<16xf32>
        %select_n3A_561 = arith.select %eq3A_538, %get3A_528, %broadcast_in_dim3A_560 : vector<16xi1>, vector<16xf32>
        %jit3A_562 = arith.constant 0.000000e+00 : f32
        %broadcast_in_dim3A_563 = vector.broadcast %jit3A_562 : f32 to vector<16xf32>
        %select_n3A_564 = arith.select %eq3A_540, %get3A_532, %broadcast_in_dim3A_563 : vector<16xi1>, vector<16xf32>
        %jit3A_565 = arith.constant -1.000000e+00 : f32
        %broadcast_in_dim3A_566 = vector.broadcast %jit3A_565 : f32 to vector<16xf32>
        %select_n3A_567 = arith.select %eq3A_534, %get3A_520, %broadcast_in_dim3A_566 : vector<16xi1>, vector<16xf32>
        %jit3A_568 = arith.constant -1.000000e+00 : f32
        %broadcast_in_dim3A_569 = vector.broadcast %jit3A_568 : f32 to vector<16xf32>
        %select_n3A_570 = arith.select %eq3A_536, %get3A_524, %broadcast_in_dim3A_569 : vector<16xi1>, vector<16xf32>
        %jit3A_571 = arith.constant -1.000000e+00 : f32
        %broadcast_in_dim3A_572 = vector.broadcast %jit3A_571 : f32 to vector<16xf32>
        %select_n3A_573 = arith.select %eq3A_538, %get3A_528, %broadcast_in_dim3A_572 : vector<16xi1>, vector<16xf32>
        %jit3A_574 = arith.constant -1.000000e+00 : f32
        %broadcast_in_dim3A_575 = vector.broadcast %jit3A_574 : f32 to vector<16xf32>
        %select_n3A_576 = arith.select %eq3A_540, %get3A_532, %broadcast_in_dim3A_575 : vector<16xi1>, vector<16xf32>
        %slice3A_577 = vector.extract_strided_slice %get3A_500 {offsets = [15], sizes = [1], strides = [1]} : vector<16xi32> to vector<1xi32>
        %squeeze3A_578 = vector.extract %slice3A_577[0] : i32 from vector<1xi32>
        %eq3A_579 = arith.cmpi eq, %squeeze3A_578, %add3A_63 : i32
        %masked_sort3A_580 = arith.constant dense<true> : vector<16xi1>
        %masked_sort3A_581, %masked_sort3A_582, %masked_sort3A_583 = tpu.sort %select_n3A_543, %select_n3A_555 masked %masked_sort3A_580 : (vector<16xf32>, vector<16xf32>, vector<16xi1>) -> (vector<16xi1>, vector<16xf32>, vector<16xf32>)
        %masked_sort3A_584 = arith.constant dense<true> : vector<16xi1>
        %masked_sort3A_585, %masked_sort3A_586, %masked_sort3A_587 = tpu.sort %select_n3A_546, %select_n3A_558 masked %masked_sort3A_584 {descending = true} : (vector<16xf32>, vector<16xf32>, vector<16xi1>) -> (vector<16xi1>, vector<16xf32>, vector<16xf32>)
        %masked_sort3A_588 = arith.constant dense<true> : vector<16xi1>
        %masked_sort3A_589, %masked_sort3A_590, %masked_sort3A_591 = tpu.sort %select_n3A_549, %select_n3A_561 masked %masked_sort3A_588 : (vector<16xf32>, vector<16xf32>, vector<16xi1>) -> (vector<16xi1>, vector<16xf32>, vector<16xf32>)
        %masked_sort3A_592 = arith.constant dense<true> : vector<16xi1>
        %masked_sort3A_593, %masked_sort3A_594, %masked_sort3A_595 = tpu.sort %select_n3A_552, %select_n3A_564 masked %masked_sort3A_592 {descending = true} : (vector<16xf32>, vector<16xf32>, vector<16xi1>) -> (vector<16xi1>, vector<16xf32>, vector<16xf32>)
        %ge3A_596 = arith.cmpf oge, %masked_sort3A_586, %masked_sort3A_582 : vector<16xf32>
        %select_n3A_597 = arith.select %ge3A_596, %masked_sort3A_586, %masked_sort3A_582 : vector<16xi1>, vector<16xf32>
        %select_n3A_598 = arith.select %ge3A_596, %masked_sort3A_587, %masked_sort3A_583 : vector<16xi1>, vector<16xf32>
        %masked_sort3A_599 = arith.constant dense<true> : vector<16xi1>
        %masked_sort3A_600, %masked_sort3A_601, %masked_sort3A_602 = tpu.sort %select_n3A_597, %select_n3A_598 masked %masked_sort3A_599 : (vector<16xf32>, vector<16xf32>, vector<16xi1>) -> (vector<16xi1>, vector<16xf32>, vector<16xf32>)
        %ge3A_603 = arith.cmpf oge, %masked_sort3A_594, %masked_sort3A_590 : vector<16xf32>
        %select_n3A_604 = arith.select %ge3A_603, %masked_sort3A_594, %masked_sort3A_590 : vector<16xi1>, vector<16xf32>
        %select_n3A_605 = arith.select %ge3A_603, %masked_sort3A_595, %masked_sort3A_591 : vector<16xi1>, vector<16xf32>
        %masked_sort3A_606 = arith.constant dense<true> : vector<16xi1>
        %masked_sort3A_607, %masked_sort3A_608, %masked_sort3A_609 = tpu.sort %select_n3A_604, %select_n3A_605 masked %masked_sort3A_606 {descending = true} : (vector<16xf32>, vector<16xf32>, vector<16xi1>) -> (vector<16xi1>, vector<16xf32>, vector<16xf32>)
        %ge3A_610 = arith.cmpf oge, %masked_sort3A_608, %masked_sort3A_601 : vector<16xf32>
        %select_n3A_611 = arith.select %ge3A_610, %masked_sort3A_608, %masked_sort3A_601 : vector<16xi1>, vector<16xf32>
        %select_n3A_612 = arith.select %ge3A_610, %masked_sort3A_609, %masked_sort3A_602 : vector<16xi1>, vector<16xf32>
        %masked_sort3A_613 = arith.constant dense<true> : vector<16xi1>
        %masked_sort3A_614, %masked_sort3A_615, %masked_sort3A_616 = tpu.sort %select_n3A_611, %select_n3A_612 masked %masked_sort3A_613 : (vector<16xf32>, vector<16xf32>, vector<16xi1>) -> (vector<16xi1>, vector<16xf32>, vector<16xf32>)
        %ge3A_617 = arith.cmpf oge, %while3A_469, %masked_sort3A_615 : vector<16xf32>
        %select_n3A_618 = arith.select %ge3A_617, %while3A_469, %masked_sort3A_615 : vector<16xi1>, vector<16xf32>
        %select_n3A_619 = arith.select %ge3A_617, %while3A_470, %masked_sort3A_616 : vector<16xi1>, vector<16xf32>
        %masked_sort3A_620 = arith.constant dense<true> : vector<16xi1>
        %masked_sort3A_621, %masked_sort3A_622, %masked_sort3A_623 = tpu.sort %select_n3A_618, %select_n3A_619 masked %masked_sort3A_620 {descending = true} : (vector<16xf32>, vector<16xf32>, vector<16xi1>) -> (vector<16xi1>, vector<16xf32>, vector<16xf32>)
        %masked_sort3A_624 = arith.constant dense<true> : vector<16xi1>
        %masked_sort3A_625, %masked_sort3A_626, %masked_sort3A_627 = tpu.sort %select_n3A_567, %select_n3A_567 masked %masked_sort3A_624 : (vector<16xf32>, vector<16xf32>, vector<16xi1>) -> (vector<16xi1>, vector<16xf32>, vector<16xf32>)
        %masked_sort3A_628 = arith.constant dense<true> : vector<16xi1>
        %masked_sort3A_629, %masked_sort3A_630, %masked_sort3A_631 = tpu.sort %select_n3A_570, %select_n3A_570 masked %masked_sort3A_628 {descending = true} : (vector<16xf32>, vector<16xf32>, vector<16xi1>) -> (vector<16xi1>, vector<16xf32>, vector<16xf32>)
        %masked_sort3A_632 = arith.constant dense<true> : vector<16xi1>
        %masked_sort3A_633, %masked_sort3A_634, %masked_sort3A_635 = tpu.sort %select_n3A_573, %select_n3A_573 masked %masked_sort3A_632 : (vector<16xf32>, vector<16xf32>, vector<16xi1>) -> (vector<16xi1>, vector<16xf32>, vector<16xf32>)
        %masked_sort3A_636 = arith.constant dense<true> : vector<16xi1>
        %masked_sort3A_637, %masked_sort3A_638, %masked_sort3A_639 = tpu.sort %select_n3A_576, %select_n3A_576 masked %masked_sort3A_636 {descending = true} : (vector<16xf32>, vector<16xf32>, vector<16xi1>) -> (vector<16xi1>, vector<16xf32>, vector<16xf32>)
        %max3A_640 = arith.maximumf %masked_sort3A_630, %masked_sort3A_626 : vector<16xf32>
        %masked_sort3A_641 = arith.constant dense<true> : vector<16xi1>
        %masked_sort3A_642, %masked_sort3A_643, %masked_sort3A_644 = tpu.sort %max3A_640, %max3A_640 masked %masked_sort3A_641 : (vector<16xf32>, vector<16xf32>, vector<16xi1>) -> (vector<16xi1>, vector<16xf32>, vector<16xf32>)
        %max3A_645 = arith.maximumf %masked_sort3A_638, %masked_sort3A_634 : vector<16xf32>
        %masked_sort3A_646 = arith.constant dense<true> : vector<16xi1>
        %masked_sort3A_647, %masked_sort3A_648, %masked_sort3A_649 = tpu.sort %max3A_645, %max3A_645 masked %masked_sort3A_646 {descending = true} : (vector<16xf32>, vector<16xf32>, vector<16xi1>) -> (vector<16xi1>, vector<16xf32>, vector<16xf32>)
        %max3A_650 = arith.maximumf %masked_sort3A_648, %masked_sort3A_643 : vector<16xf32>
        %masked_sort3A_651 = arith.constant dense<true> : vector<16xi1>
        %masked_sort3A_652, %masked_sort3A_653, %masked_sort3A_654 = tpu.sort %max3A_650, %max3A_650 masked %masked_sort3A_651 : (vector<16xf32>, vector<16xf32>, vector<16xi1>) -> (vector<16xi1>, vector<16xf32>, vector<16xf32>)
        %max3A_655 = arith.maximumf %while3A_471, %masked_sort3A_653 : vector<16xf32>
        %masked_sort3A_656 = arith.constant dense<true> : vector<16xi1>
        %masked_sort3A_657, %masked_sort3A_658, %masked_sort3A_659 = tpu.sort %max3A_655, %max3A_655 masked %masked_sort3A_656 {descending = true} : (vector<16xf32>, vector<16xf32>, vector<16xi1>) -> (vector<16xi1>, vector<16xf32>, vector<16xf32>)
        %add3A_660 = arith.constant 64 : i32
        %add3A_661 = arith.addi %while3A_467, %add3A_660 : i32
        scf.yield %eq3A_579, %add3A_661, %cond3A_483, %masked_sort3A_622, %masked_sort3A_623, %masked_sort3A_658 : i1, i32, i32, vector<16xf32>, vector<16xf32>, vector<16xf32>
      }
      %mul3A_413 = arith.mulf %while3A#4, %get3A_3 : vector<16xf32>
      %cumsum3A_414 = arith.constant true
      %cumsum3A_415 = vector.broadcast %cumsum3A_414 : i1 to vector<16xi1>
      %cumsum3A_416 = tpu.scan <sum>, %mul3A_413 masked %cumsum3A_415 : vector<16xf32>, vector<16xi1> -> vector<16xf32>
      %max3A_417 = arith.constant 0.000000e+00 : f32
      %max3A_418 = vector.broadcast %max3A_417 : f32 to vector<16xf32>
      %max3A_419 = arith.maximumf %while3A#5, %max3A_418 : vector<16xf32>
      %mul3A_420 = arith.mulf %max3A_419, %get3A_3 : vector<16xf32>
      %cumsum3A_421 = arith.constant true
      %cumsum3A_422 = vector.broadcast %cumsum3A_421 : i1 to vector<16xi1>
      %cumsum3A_423 = tpu.scan <sum>, %mul3A_420 masked %cumsum3A_422 : vector<16xf32>, vector<16xi1> -> vector<16xf32>
      %gt3A_424 = arith.constant 0.000000e+00 : f32
      %gt3A_425 = vector.broadcast %gt3A_424 : f32 to vector<16xf32>
      %gt3A_426 = arith.cmpf ogt, %cumsum3A_423, %gt3A_425 : vector<16xf32>
      %jit3A_427 = arith.constant 1.000000e+00 : f32
      %broadcast_in_dim3A_428 = vector.broadcast %jit3A_427 : f32 to vector<16xf32>
      %select_n3A_429 = arith.select %gt3A_426, %cumsum3A_423, %broadcast_in_dim3A_428 : vector<16xi1>, vector<16xf32>
      %gt3A_430 = arith.constant 0.000000e+00 : f32
      %gt3A_431 = vector.broadcast %gt3A_430 : f32 to vector<16xf32>
      %gt3A_432 = arith.cmpf ogt, %cumsum3A_423, %gt3A_431 : vector<16xf32>
      %div3A = arith.divf %cumsum3A_416, %select_n3A_429 : vector<16xf32>
      %jit3A_433 = arith.constant 0.000000e+00 : f32
      %broadcast_in_dim3A_434 = vector.broadcast %jit3A_433 : f32 to vector<16xf32>
      %select_n3A_435 = arith.select %gt3A_432, %div3A, %broadcast_in_dim3A_434 : vector<16xi1>, vector<16xf32>
      %slice3A_436 = vector.extract_strided_slice %select_n3A_435 {offsets = [15], sizes = [1], strides = [1]} : vector<16xf32> to vector<1xf32>
      %squeeze3A_437 = vector.extract %slice3A_436[0] : f32 from vector<1xf32>
      %add3A_438 = arith.addf %scan3A_50, %squeeze3A_437 : f32
      %mul3A_439 = arith.mulf %while3A_412#4, %get3A_3 : vector<16xf32>
      %cumsum3A_440 = arith.constant true
      %cumsum3A_441 = vector.broadcast %cumsum3A_440 : i1 to vector<16xi1>
      %cumsum3A_442 = tpu.scan <sum>, %mul3A_439 masked %cumsum3A_441 : vector<16xf32>, vector<16xi1> -> vector<16xf32>
      %max3A_443 = arith.constant 0.000000e+00 : f32
      %max3A_444 = vector.broadcast %max3A_443 : f32 to vector<16xf32>
      %max3A_445 = arith.maximumf %while3A_412#5, %max3A_444 : vector<16xf32>
      %mul3A_446 = arith.mulf %max3A_445, %get3A_3 : vector<16xf32>
      %cumsum3A_447 = arith.constant true
      %cumsum3A_448 = vector.broadcast %cumsum3A_447 : i1 to vector<16xi1>
      %cumsum3A_449 = tpu.scan <sum>, %mul3A_446 masked %cumsum3A_448 : vector<16xf32>, vector<16xi1> -> vector<16xf32>
      %gt3A_450 = arith.constant 0.000000e+00 : f32
      %gt3A_451 = vector.broadcast %gt3A_450 : f32 to vector<16xf32>
      %gt3A_452 = arith.cmpf ogt, %cumsum3A_449, %gt3A_451 : vector<16xf32>
      %jit3A_453 = arith.constant 1.000000e+00 : f32
      %broadcast_in_dim3A_454 = vector.broadcast %jit3A_453 : f32 to vector<16xf32>
      %select_n3A_455 = arith.select %gt3A_452, %cumsum3A_449, %broadcast_in_dim3A_454 : vector<16xi1>, vector<16xf32>
      %gt3A_456 = arith.constant 0.000000e+00 : f32
      %gt3A_457 = vector.broadcast %gt3A_456 : f32 to vector<16xf32>
      %gt3A_458 = arith.cmpf ogt, %cumsum3A_449, %gt3A_457 : vector<16xf32>
      %div3A_459 = arith.divf %cumsum3A_442, %select_n3A_455 : vector<16xf32>
      %jit3A_460 = arith.constant 0.000000e+00 : f32
      %broadcast_in_dim3A_461 = vector.broadcast %jit3A_460 : f32 to vector<16xf32>
      %select_n3A_462 = arith.select %gt3A_458, %div3A_459, %broadcast_in_dim3A_461 : vector<16xi1>, vector<16xf32>
      %slice3A_463 = vector.extract_strided_slice %select_n3A_462 {offsets = [15], sizes = [1], strides = [1]} : vector<16xf32> to vector<1xf32>
      %squeeze3A_464 = vector.extract %slice3A_463[0] : f32 from vector<1xf32>
      %add3A_465 = arith.addf %add3A_438, %squeeze3A_464 : f32
      scf.yield %while3A_412#2, %add3A_465 : i32, f32
    }
    %scan3A_34 = arith.constant 256 : i32
    %cumsum3A = arith.constant true
    %cumsum3A_35 = vector.broadcast %cumsum3A : i1 to vector<16xi1>
    %cumsum3A_36 = tpu.scan <sum>, %scan3A_25#1 masked %cumsum3A_35 : vector<16xi32>, vector<16xi1> -> vector<16xi32>
    %slice3A = vector.extract_strided_slice %cumsum3A_36 {offsets = [15], sizes = [1], strides = [1]} : vector<16xi32> to vector<1xi32>
    %squeeze3A = vector.extract %slice3A[0] : i32 from vector<1xi32>
    %convert_element_type3A = arith.sitofp %squeeze3A : i32 to f32
    %eq3A = arith.constant 0 : i32
    %eq3A_37 = vector.broadcast %eq3A : i32 to vector<16xi32>
    %eq3A_38 = arith.cmpi eq, %iota3A, %eq3A_37 : vector<16xi32>
    %eq3A_39 = arith.constant 1 : i32
    %eq3A_40 = vector.broadcast %eq3A_39 : i32 to vector<16xi32>
    %eq3A_41 = arith.cmpi eq, %iota3A, %eq3A_40 : vector<16xi32>
    %jit3A = arith.constant 0.000000e+00 : f32
    %broadcast_in_dim3A_42 = vector.broadcast %convert_element_type3A : f32 to vector<16xf32>
    %broadcast_in_dim3A_43 = vector.broadcast %jit3A : f32 to vector<16xf32>
    %select_n3A = arith.select %eq3A_41, %broadcast_in_dim3A_42, %broadcast_in_dim3A_43 : vector<16xi1>, vector<16xf32>
    %broadcast_in_dim3A_44 = vector.broadcast %scan3A_33#1 : f32 to vector<16xf32>
    %select_n3A_45 = arith.select %eq3A_38, %broadcast_in_dim3A_44, %select_n3A : vector<16xi1>, vector<16xf32>
    %swap3A_46 = arith.constant 0 : index
    %swap3A_47 = tpu.vector_load %arg14[%swap3A_46] {strides = array<i32>} : memref<16xf32, #tpu.memory_space<vmem>>, vector<16xf32>,
    tpu.vector_store %arg14[%swap3A_46], %select_n3A_45 {strides = array<i32>} : memref<16xf32, #tpu.memory_space<vmem>>, vector<16xf32>,
    "tpu.region"() ({
      %run_scoped3A = tpu.sem_alloc : memref<!tpu.dma_semaphore, #tpu.memory_space<semaphore_mem>>
      %dma_start3A = arith.constant 0 : i32
      %dma_start3A_48 = tpu.memref_slice %arg7[%add3A, %dma_start3A] : memref<32x16xf32, #tpu.memory_space<hbm>> -> memref<1x16xf32, #tpu.memory_space<hbm>>
      %dma_start3A_49 = tpu.memref_squeeze %dma_start3A_48 : memref<1x16xf32, #tpu.memory_space<hbm>> -> memref<16xf32, #tpu.memory_space<hbm>>
      %dma_start3A_50 = arith.constant 0 : i32
      %dma_start3A_51 = tpu.memref_slice %arg7[%add3A, %dma_start3A_50] : memref<32x16xf32, #tpu.memory_space<hbm>> -> memref<1x16xf32, #tpu.memory_space<hbm>>
      %dma_start3A_52 = tpu.memref_squeeze %dma_start3A_51 : memref<1x16xf32, #tpu.memory_space<hbm>> -> memref<16xf32, #tpu.memory_space<hbm>>
      tpu.enqueue_dma source(%arg14 : memref<16xf32, #tpu.memory_space<vmem>>) target(%dma_start3A_52 : memref<16xf32, #tpu.memory_space<hbm>>) target_semaphore(%run_scoped3A : memref<!tpu.dma_semaphore, #tpu.memory_space<semaphore_mem>>)
      %dma_wait3A = arith.constant 0 : i32
      %dma_wait3A_53 = tpu.memref_slice %arg7[%add3A, %dma_wait3A] : memref<32x16xf32, #tpu.memory_space<hbm>> -> memref<1x16xf32, #tpu.memory_space<hbm>>
      %dma_wait3A_54 = tpu.memref_squeeze %dma_wait3A_53 : memref<1x16xf32, #tpu.memory_space<hbm>> -> memref<16xf32, #tpu.memory_space<hbm>>
      %dma_wait3A_55 = arith.constant 0 : i32
      %dma_wait3A_56 = tpu.memref_slice %arg7[%add3A, %dma_wait3A_55] : memref<32x16xf32, #tpu.memory_space<hbm>> -> memref<1x16xf32, #tpu.memory_space<hbm>>
      %dma_wait3A_57 = tpu.memref_squeeze %dma_wait3A_56 : memref<1x16xf32, #tpu.memory_space<hbm>> -> memref<16xf32, #tpu.memory_space<hbm>>
      tpu.wait_dma2 semaphore(%run_scoped3A : memref<!tpu.dma_semaphore, #tpu.memory_space<semaphore_mem>>) src(%arg14 : memref<16xf32, #tpu.memory_space<vmem>>) dst(%dma_wait3A_57 : memref<16xf32, #tpu.memory_space<hbm>>)
      tpu.yield
    }) : () -> ()
    return
  }
}

#map = affine_map<(d0, d1) -> (0)>
#map1 = affine_map<(d0, d1) -> (0, 0)>
module attributes {stable_mosaic.version = 14 : i64} {
  func.func @_phase_a(%arg0: i32, %arg1: i32, %arg2: memref<819200xi32, #tpu.memory_space<hbm>>, %arg3: memref<32x16384xi32, #tpu.memory_space<hbm>>, %arg4: memref<25608xi32, #tpu.memory_space<vmem>>, %arg5: memref<16384xi32, #tpu.memory_space<vmem>>) attributes {dimension_semantics = [#tpu.dimension_semantics<core_parallel>, #tpu.dimension_semantics<subcore_parallel>], iteration_bounds = array<i64: 2, 16>, scalar_prefetch = 0 : i64, scratch_operands = 2 : i64, tpu.core_type = #tpu.core_type<sc_vector_subcore>, window_params = [{transform_indices = #map}, {transform_indices = #map1}]} {
    %mul3A = arith.constant 2 : i32
    %mul3A_0 = arith.muli %arg1, %mul3A : i32
    %add3A = arith.addi %mul3A_0, %arg0 : i32
    %eq3A = arith.constant 0 : i32
    %eq3A_1 = arith.cmpi eq, %add3A, %eq3A : i32
    %convert_element_type3A = arith.extui %eq3A_1 : i1 to i32
    %cond3A = arith.constant 0 : i32
    %cond3A_2 = arith.cmpi ne, %convert_element_type3A, %cond3A : i32
    scf.if %cond3A_2 {
      %broadcast_in_dim3A_21 = arith.constant -1 : i32
      %broadcast_in_dim3A_22 = vector.broadcast %broadcast_in_dim3A_21 : i32 to vector<16xi32>
      %swap3A = arith.constant 0 : index
      %swap3A_23 = tpu.vector_load %arg4[%swap3A] {strides = array<i32>} : memref<25608xi32, #tpu.memory_space<vmem>>, vector<16xi32>,
      tpu.vector_store %arg4[%swap3A], %broadcast_in_dim3A_22 {strides = array<i32>} : memref<25608xi32, #tpu.memory_space<vmem>>, vector<16xi32>,
      "tpu.region"() ({
        %run_scoped3A = tpu.sem_alloc : memref<!tpu.dma_semaphore, #tpu.memory_space<semaphore_mem>>
        %dma_start3A = arith.constant 8 : i32
        %dma_start3A_24 = tpu.memref_slice %arg4[%dma_start3A] : memref<25608xi32, #tpu.memory_space<vmem>> -> memref<25600xi32, #tpu.memory_space<vmem>>
        %dma_start3A_25 = arith.constant 0 : i32
        %dma_start3A_26 = tpu.memref_slice %arg2[%dma_start3A_25] : memref<819200xi32, #tpu.memory_space<hbm>> -> memref<25600xi32, #tpu.memory_space<hbm>>
        %dma_start3A_27 = arith.constant 8 : i32
        %dma_start3A_28 = tpu.memref_slice %arg4[%dma_start3A_27] : memref<25608xi32, #tpu.memory_space<vmem>> -> memref<25600xi32, #tpu.memory_space<vmem>>
        %dma_start3A_29 = arith.constant 0 : i32
        %dma_start3A_30 = tpu.memref_slice %arg2[%dma_start3A_29] : memref<819200xi32, #tpu.memory_space<hbm>> -> memref<25600xi32, #tpu.memory_space<hbm>>
        tpu.enqueue_dma source(%dma_start3A_30 : memref<25600xi32, #tpu.memory_space<hbm>>) target(%dma_start3A_28 : memref<25600xi32, #tpu.memory_space<vmem>>) target_semaphore(%run_scoped3A : memref<!tpu.dma_semaphore, #tpu.memory_space<semaphore_mem>>)
        %dma_wait3A = arith.constant 8 : i32
        %dma_wait3A_31 = tpu.memref_slice %arg4[%dma_wait3A] : memref<25608xi32, #tpu.memory_space<vmem>> -> memref<25600xi32, #tpu.memory_space<vmem>>
        %dma_wait3A_32 = arith.constant 0 : i32
        %dma_wait3A_33 = tpu.memref_slice %arg2[%dma_wait3A_32] : memref<819200xi32, #tpu.memory_space<hbm>> -> memref<25600xi32, #tpu.memory_space<hbm>>
        %dma_wait3A_34 = arith.constant 8 : i32
        %dma_wait3A_35 = tpu.memref_slice %arg4[%dma_wait3A_34] : memref<25608xi32, #tpu.memory_space<vmem>> -> memref<25600xi32, #tpu.memory_space<vmem>>
        %dma_wait3A_36 = arith.constant 0 : i32
        %dma_wait3A_37 = tpu.memref_slice %arg2[%dma_wait3A_36] : memref<819200xi32, #tpu.memory_space<hbm>> -> memref<25600xi32, #tpu.memory_space<hbm>>
        tpu.wait_dma2 semaphore(%run_scoped3A : memref<!tpu.dma_semaphore, #tpu.memory_space<semaphore_mem>>) src(%dma_wait3A_37 : memref<25600xi32, #tpu.memory_space<hbm>>) dst(%dma_wait3A_35 : memref<25600xi32, #tpu.memory_space<vmem>>)
        tpu.yield
      }) : () -> ()
    } else {
    }
    %gt3A = arith.constant 0 : i32
    %gt3A_3 = arith.cmpi sgt, %add3A, %gt3A : i32
    %convert_element_type3A_4 = arith.extui %gt3A_3 : i1 to i32
    %cond3A_5 = arith.constant 0 : i32
    %cond3A_6 = arith.cmpi ne, %convert_element_type3A_4, %cond3A_5 : i32
    scf.if %cond3A_6 {
      %mul3A_21 = arith.constant 25600 : i32
      %mul3A_22 = arith.muli %add3A, %mul3A_21 : i32
      %sub3A = arith.constant 8 : i32
      %sub3A_23 = arith.subi %mul3A_22, %sub3A : i32
      "tpu.region"() ({
        %run_scoped3A = tpu.sem_alloc : memref<!tpu.dma_semaphore, #tpu.memory_space<semaphore_mem>>
        %dma_start3A = tpu.memref_slice %arg2[%sub3A_23] : memref<819200xi32, #tpu.memory_space<hbm>> -> memref<25608xi32, #tpu.memory_space<hbm>>
        %dma_start3A_24 = tpu.memref_slice %arg2[%sub3A_23] : memref<819200xi32, #tpu.memory_space<hbm>> -> memref<25608xi32, #tpu.memory_space<hbm>>
        tpu.enqueue_dma source(%dma_start3A_24 : memref<25608xi32, #tpu.memory_space<hbm>>) target(%arg4 : memref<25608xi32, #tpu.memory_space<vmem>>) target_semaphore(%run_scoped3A : memref<!tpu.dma_semaphore, #tpu.memory_space<semaphore_mem>>)
        %dma_wait3A = tpu.memref_slice %arg2[%sub3A_23] : memref<819200xi32, #tpu.memory_space<hbm>> -> memref<25608xi32, #tpu.memory_space<hbm>>
        %dma_wait3A_25 = tpu.memref_slice %arg2[%sub3A_23] : memref<819200xi32, #tpu.memory_space<hbm>> -> memref<25608xi32, #tpu.memory_space<hbm>>
        tpu.wait_dma2 semaphore(%run_scoped3A : memref<!tpu.dma_semaphore, #tpu.memory_space<semaphore_mem>>) src(%dma_wait3A_25 : memref<25608xi32, #tpu.memory_space<hbm>>) dst(%arg4 : memref<25608xi32, #tpu.memory_space<vmem>>)
        tpu.yield
      }) : () -> ()
    } else {
    }
    %broadcast_in_dim3A = arith.constant 819200 : i32
    %broadcast_in_dim3A_7 = vector.broadcast %broadcast_in_dim3A : i32 to vector<16xi32>
    %scan3A = arith.constant 0 : i32
    %scan3A_8 = arith.constant 0 : i32
    %scan3A_9 = arith.constant 256 : i32
    %scan3A_10 = arith.addi %scan3A_8, %scan3A_9 : i32
    %scan3A_11 = arith.constant 1 : i32
    scf.for %scan3A_21 = %scan3A_8 to %scan3A_10 step %scan3A_11  : i32 {
      %mul3A_22 = arith.constant 64 : i32
      %mul3A_23 = arith.muli %scan3A_21, %mul3A_22 : i32
      %add3A_24 = arith.constant 0 : i32
      %add3A_25 = arith.addi %mul3A_23, %add3A_24 : i32
      %swap3A = arith.index_cast %add3A_25 : i32 to index
      %swap3A_26 = tpu.vector_load %arg5[%swap3A] {strides = array<i32>} : memref<16384xi32, #tpu.memory_space<vmem>>, vector<16xi32>,
      tpu.vector_store %arg5[%swap3A], %broadcast_in_dim3A_7 {strides = array<i32>} : memref<16384xi32, #tpu.memory_space<vmem>>, vector<16xi32>,
      %mul3A_27 = arith.constant 64 : i32
      %mul3A_28 = arith.muli %scan3A_21, %mul3A_27 : i32
      %add3A_29 = arith.constant 16 : i32
      %add3A_30 = arith.addi %mul3A_28, %add3A_29 : i32
      %swap3A_31 = arith.index_cast %add3A_30 : i32 to index
      %swap3A_32 = tpu.vector_load %arg5[%swap3A_31] {strides = array<i32>} : memref<16384xi32, #tpu.memory_space<vmem>>, vector<16xi32>,
      tpu.vector_store %arg5[%swap3A_31], %broadcast_in_dim3A_7 {strides = array<i32>} : memref<16384xi32, #tpu.memory_space<vmem>>, vector<16xi32>,
      %mul3A_33 = arith.constant 64 : i32
      %mul3A_34 = arith.muli %scan3A_21, %mul3A_33 : i32
      %add3A_35 = arith.constant 32 : i32
      %add3A_36 = arith.addi %mul3A_34, %add3A_35 : i32
      %swap3A_37 = arith.index_cast %add3A_36 : i32 to index
      %swap3A_38 = tpu.vector_load %arg5[%swap3A_37] {strides = array<i32>} : memref<16384xi32, #tpu.memory_space<vmem>>, vector<16xi32>,
      tpu.vector_store %arg5[%swap3A_37], %broadcast_in_dim3A_7 {strides = array<i32>} : memref<16384xi32, #tpu.memory_space<vmem>>, vector<16xi32>,
      %mul3A_39 = arith.constant 64 : i32
      %mul3A_40 = arith.muli %scan3A_21, %mul3A_39 : i32
      %add3A_41 = arith.constant 48 : i32
      %add3A_42 = arith.addi %mul3A_40, %add3A_41 : i32
      %swap3A_43 = arith.index_cast %add3A_42 : i32 to index
      %swap3A_44 = tpu.vector_load %arg5[%swap3A_43] {strides = array<i32>} : memref<16384xi32, #tpu.memory_space<vmem>>, vector<16xi32>,
      tpu.vector_store %arg5[%swap3A_43], %broadcast_in_dim3A_7 {strides = array<i32>} : memref<16384xi32, #tpu.memory_space<vmem>>, vector<16xi32>,
    }
    %scan3A_12 = arith.constant 256 : i32
    %iota3A = tpu.iota {dimensions = array<i32: 0>} : vector<16xi32>
    %mul3A_13 = arith.constant 25600 : i32
    %mul3A_14 = arith.muli %add3A, %mul3A_13 : i32
    %scan3A_15 = arith.constant 0 : i32
    %scan3A_16 = arith.constant 0 : i32
    %scan3A_17 = arith.constant 400 : i32
    %scan3A_18 = arith.addi %scan3A_16, %scan3A_17 : i32
    %scan3A_19 = arith.constant 1 : i32
    scf.for %scan3A_21 = %scan3A_16 to %scan3A_18 step %scan3A_19  : i32 {
      %mul3A_22 = arith.constant 64 : i32
      %mul3A_23 = arith.muli %scan3A_21, %mul3A_22 : i32
      %add3A_24 = arith.constant 0 : i32
      %add3A_25 = arith.addi %mul3A_23, %add3A_24 : i32
      %add3A_26 = arith.constant 8 : i32
      %add3A_27 = arith.addi %add3A_25, %add3A_26 : i32
      %get3A = arith.index_cast %add3A_27 : i32 to index
      %get3A_28 = tpu.vector_load %arg4[%get3A] {strides = array<i32>} : memref<25608xi32, #tpu.memory_space<vmem>>, vector<16xi32>,
      %add3A_29 = arith.constant 7 : i32
      %add3A_30 = arith.addi %add3A_25, %add3A_29 : i32
      %get3A_31 = arith.index_cast %add3A_30 : i32 to index
      %get3A_32 = tpu.vector_load %arg4[%get3A_31] {strides = array<i32>} : memref<25608xi32, #tpu.memory_space<vmem>>, vector<16xi32>,
      %ne3A = arith.cmpi ne, %get3A_28, %get3A_32 : vector<16xi32>
      %add3A_33 = arith.addi %mul3A_14, %add3A_25 : i32
      %add3A_34 = vector.broadcast %add3A_33 : i32 to vector<16xi32>
      %add3A_35 = arith.addi %iota3A, %add3A_34 : vector<16xi32>
      tpu.vector_store_idx %arg5[%get3A_28], %add3A_35 masked %ne3A : memref<16384xi32, #tpu.memory_space<vmem>>[vector<16xi32>], vector<16xi32>, vector<16xi1>
      %mul3A_36 = arith.constant 64 : i32
      %mul3A_37 = arith.muli %scan3A_21, %mul3A_36 : i32
      %add3A_38 = arith.constant 16 : i32
      %add3A_39 = arith.addi %mul3A_37, %add3A_38 : i32
      %add3A_40 = arith.constant 8 : i32
      %add3A_41 = arith.addi %add3A_39, %add3A_40 : i32
      %get3A_42 = arith.index_cast %add3A_41 : i32 to index
      %get3A_43 = tpu.vector_load %arg4[%get3A_42] {strides = array<i32>} : memref<25608xi32, #tpu.memory_space<vmem>>, vector<16xi32>,
      %add3A_44 = arith.constant 7 : i32
      %add3A_45 = arith.addi %add3A_39, %add3A_44 : i32
      %get3A_46 = arith.index_cast %add3A_45 : i32 to index
      %get3A_47 = tpu.vector_load %arg4[%get3A_46] {strides = array<i32>} : memref<25608xi32, #tpu.memory_space<vmem>>, vector<16xi32>,
      %ne3A_48 = arith.cmpi ne, %get3A_43, %get3A_47 : vector<16xi32>
      %add3A_49 = arith.addi %mul3A_14, %add3A_39 : i32
      %add3A_50 = vector.broadcast %add3A_49 : i32 to vector<16xi32>
      %add3A_51 = arith.addi %iota3A, %add3A_50 : vector<16xi32>
      tpu.vector_store_idx %arg5[%get3A_43], %add3A_51 masked %ne3A_48 : memref<16384xi32, #tpu.memory_space<vmem>>[vector<16xi32>], vector<16xi32>, vector<16xi1>
      %mul3A_52 = arith.constant 64 : i32
      %mul3A_53 = arith.muli %scan3A_21, %mul3A_52 : i32
      %add3A_54 = arith.constant 32 : i32
      %add3A_55 = arith.addi %mul3A_53, %add3A_54 : i32
      %add3A_56 = arith.constant 8 : i32
      %add3A_57 = arith.addi %add3A_55, %add3A_56 : i32
      %get3A_58 = arith.index_cast %add3A_57 : i32 to index
      %get3A_59 = tpu.vector_load %arg4[%get3A_58] {strides = array<i32>} : memref<25608xi32, #tpu.memory_space<vmem>>, vector<16xi32>,
      %add3A_60 = arith.constant 7 : i32
      %add3A_61 = arith.addi %add3A_55, %add3A_60 : i32
      %get3A_62 = arith.index_cast %add3A_61 : i32 to index
      %get3A_63 = tpu.vector_load %arg4[%get3A_62] {strides = array<i32>} : memref<25608xi32, #tpu.memory_space<vmem>>, vector<16xi32>,
      %ne3A_64 = arith.cmpi ne, %get3A_59, %get3A_63 : vector<16xi32>
      %add3A_65 = arith.addi %mul3A_14, %add3A_55 : i32
      %add3A_66 = vector.broadcast %add3A_65 : i32 to vector<16xi32>
      %add3A_67 = arith.addi %iota3A, %add3A_66 : vector<16xi32>
      tpu.vector_store_idx %arg5[%get3A_59], %add3A_67 masked %ne3A_64 : memref<16384xi32, #tpu.memory_space<vmem>>[vector<16xi32>], vector<16xi32>, vector<16xi1>
      %mul3A_68 = arith.constant 64 : i32
      %mul3A_69 = arith.muli %scan3A_21, %mul3A_68 : i32
      %add3A_70 = arith.constant 48 : i32
      %add3A_71 = arith.addi %mul3A_69, %add3A_70 : i32
      %add3A_72 = arith.constant 8 : i32
      %add3A_73 = arith.addi %add3A_71, %add3A_72 : i32
      %get3A_74 = arith.index_cast %add3A_73 : i32 to index
      %get3A_75 = tpu.vector_load %arg4[%get3A_74] {strides = array<i32>} : memref<25608xi32, #tpu.memory_space<vmem>>, vector<16xi32>,
      %add3A_76 = arith.constant 7 : i32
      %add3A_77 = arith.addi %add3A_71, %add3A_76 : i32
      %get3A_78 = arith.index_cast %add3A_77 : i32 to index
      %get3A_79 = tpu.vector_load %arg4[%get3A_78] {strides = array<i32>} : memref<25608xi32, #tpu.memory_space<vmem>>, vector<16xi32>,
      %ne3A_80 = arith.cmpi ne, %get3A_75, %get3A_79 : vector<16xi32>
      %add3A_81 = arith.addi %mul3A_14, %add3A_71 : i32
      %add3A_82 = vector.broadcast %add3A_81 : i32 to vector<16xi32>
      %add3A_83 = arith.addi %iota3A, %add3A_82 : vector<16xi32>
      tpu.vector_store_idx %arg5[%get3A_75], %add3A_83 masked %ne3A_80 : memref<16384xi32, #tpu.memory_space<vmem>>[vector<16xi32>], vector<16xi32>, vector<16xi1>
    }
    %scan3A_20 = arith.constant 400 : i32
    "tpu.region"() ({
      %run_scoped3A = tpu.sem_alloc : memref<!tpu.dma_semaphore, #tpu.memory_space<semaphore_mem>>
      %dma_start3A = arith.constant 0 : i32
      %dma_start3A_21 = tpu.memref_slice %arg3[%add3A, %dma_start3A] : memref<32x16384xi32, #tpu.memory_space<hbm>> -> memref<1x16384xi32, #tpu.memory_space<hbm>>
      %dma_start3A_22 = tpu.memref_squeeze %dma_start3A_21 : memref<1x16384xi32, #tpu.memory_space<hbm>> -> memref<16384xi32, #tpu.memory_space<hbm>>
      %dma_start3A_23 = arith.constant 0 : i32
      %dma_start3A_24 = tpu.memref_slice %arg3[%add3A, %dma_start3A_23] : memref<32x16384xi32, #tpu.memory_space<hbm>> -> memref<1x16384xi32, #tpu.memory_space<hbm>>
      %dma_start3A_25 = tpu.memref_squeeze %dma_start3A_24 : memref<1x16384xi32, #tpu.memory_space<hbm>> -> memref<16384xi32, #tpu.memory_space<hbm>>
      tpu.enqueue_dma source(%arg5 : memref<16384xi32, #tpu.memory_space<vmem>>) target(%dma_start3A_25 : memref<16384xi32, #tpu.memory_space<hbm>>) target_semaphore(%run_scoped3A : memref<!tpu.dma_semaphore, #tpu.memory_space<semaphore_mem>>)
      %dma_wait3A = arith.constant 0 : i32
      %dma_wait3A_26 = tpu.memref_slice %arg3[%add3A, %dma_wait3A] : memref<32x16384xi32, #tpu.memory_space<hbm>> -> memref<1x16384xi32, #tpu.memory_space<hbm>>
      %dma_wait3A_27 = tpu.memref_squeeze %dma_wait3A_26 : memref<1x16384xi32, #tpu.memory_space<hbm>> -> memref<16384xi32, #tpu.memory_space<hbm>>
      %dma_wait3A_28 = arith.constant 0 : i32
      %dma_wait3A_29 = tpu.memref_slice %arg3[%add3A, %dma_wait3A_28] : memref<32x16384xi32, #tpu.memory_space<hbm>> -> memref<1x16384xi32, #tpu.memory_space<hbm>>
      %dma_wait3A_30 = tpu.memref_squeeze %dma_wait3A_29 : memref<1x16384xi32, #tpu.memory_space<hbm>> -> memref<16384xi32, #tpu.memory_space<hbm>>
      tpu.wait_dma2 semaphore(%run_scoped3A : memref<!tpu.dma_semaphore, #tpu.memory_space<semaphore_mem>>) src(%arg5 : memref<16384xi32, #tpu.memory_space<vmem>>) dst(%dma_wait3A_30 : memref<16384xi32, #tpu.memory_space<hbm>>)
      tpu.yield
    }) : () -> ()
    return
  }
}

module attributes {stable_mosaic.version = 14 : i64} {
  func.func @_bce_body(%arg0: i32, %arg1: memref<256x128xf32, #tpu.memory_space<vmem>>, %arg2: memref<256x128xf32, #tpu.memory_space<vmem>>, %arg3: memref<1x1xf32, #tpu.memory_space<smem>>) attributes {dimension_semantics = [#tpu.dimension_semantics<arbitrary>], iteration_bounds = array<i64: 25>, scalar_prefetch = 0 : i64, scratch_operands = 0 : i64, tpu.core_type = #tpu.core_type<tc>, window_params = [{transform_indices = @transform_0, window_bounds = array<i64: 256, 128>}, {transform_indices = @transform_1, window_bounds = array<i64: 256, 128>}, {transform_indices = @transform_2, window_bounds = array<i64: 1, 1>}]} {
    %get3A = arith.constant 0 : index
    %get3A_0 = arith.constant 0 : index
    %get3A_1 = vector.load %arg1[%get3A, %get3A_0] : memref<256x128xf32, #tpu.memory_space<vmem>>, vector<256x128xf32>
    %jit3A = arith.constant 1.000000e-07 : f32
    %jit3A_2 = arith.constant 0.99999988 : f32
    %max3A = vector.broadcast %jit3A : f32 to vector<256x128xf32>
    %max3A_3 = arith.maximumf %max3A, %get3A_1 : vector<256x128xf32>
    %min3A = vector.broadcast %jit3A_2 : f32 to vector<256x128xf32>
    %min3A_4 = arith.minimumf %min3A, %max3A_3 : vector<256x128xf32>
    %get3A_5 = arith.constant 0 : index
    %get3A_6 = arith.constant 0 : index
    %get3A_7 = vector.load %arg2[%get3A_5, %get3A_6] : memref<256x128xf32, #tpu.memory_space<vmem>>, vector<256x128xf32>
    %log3A = math.log %min3A_4 : vector<256x128xf32>
    %mul3A = arith.mulf %get3A_7, %log3A : vector<256x128xf32>
    %sub3A = arith.constant 1.000000e+00 : f32
    %sub3A_8 = vector.broadcast %sub3A : f32 to vector<256x128xf32>
    %sub3A_9 = arith.subf %sub3A_8, %get3A_7 : vector<256x128xf32>
    %sub3A_10 = arith.constant 1.000000e+00 : f32
    %sub3A_11 = vector.broadcast %sub3A_10 : f32 to vector<256x128xf32>
    %sub3A_12 = arith.subf %sub3A_11, %min3A_4 : vector<256x128xf32>
    %log3A_13 = math.log %sub3A_12 : vector<256x128xf32>
    %mul3A_14 = arith.mulf %sub3A_9, %log3A_13 : vector<256x128xf32>
    %add3A = arith.addf %mul3A, %mul3A_14 : vector<256x128xf32>
    %reduce_sum3A = vector.shape_cast %add3A : vector<256x128xf32> to vector<1x256x128xf32>
    %reduce_sum3A_15 = arith.constant dense<0.000000e+00> : vector<1xf32>
    %reduce_sum3A_16 = vector.multi_reduction <add>, %reduce_sum3A, %reduce_sum3A_15 [1, 2] : vector<1x256x128xf32> to vector<1xf32>
    %reduce_sum3A_17 = vector.shape_cast %reduce_sum3A_16 : vector<1xf32> to vector<1x1x1xf32>
    %reduce_sum3A_18 = vector.extract %reduce_sum3A_17[0, 0, 0] : f32 from vector<1x1x1xf32>
    %eq3A = arith.constant 0 : i32
    %eq3A_19 = arith.cmpi eq, %arg0, %eq3A : i32
    %convert_element_type3A = arith.extui %eq3A_19 : i1 to i32
    %cond3A = arith.constant 0 : i32
    %cond3A_20 = arith.cmpi ne, %convert_element_type3A, %cond3A : i32
    scf.if %cond3A_20 {
      %swap3A = arith.constant 0 : index
      %swap3A_25 = arith.constant 0 : index
      %swap3A_26 = memref.load %arg3[%swap3A, %swap3A_25] : memref<1x1xf32, #tpu.memory_space<smem>>
      memref.store %reduce_sum3A_18, %arg3[%swap3A, %swap3A_25] : memref<1x1xf32, #tpu.memory_space<smem>>
    } else {
    }
    %gt3A = arith.constant 0 : i32
    %gt3A_21 = arith.cmpi sgt, %arg0, %gt3A : i32
    %convert_element_type3A_22 = arith.extui %gt3A_21 : i1 to i32
    %cond3A_23 = arith.constant 0 : i32
    %cond3A_24 = arith.cmpi ne, %convert_element_type3A_22, %cond3A_23 : i32
    scf.if %cond3A_24 {
      %get3A_25 = arith.constant 0 : index
      %get3A_26 = arith.constant 0 : index
      %get3A_27 = memref.load %arg3[%get3A_25, %get3A_26] : memref<1x1xf32, #tpu.memory_space<smem>>
      %add3A_28 = arith.addf %get3A_27, %reduce_sum3A_18 : f32
      %swap3A = arith.constant 0 : index
      %swap3A_29 = arith.constant 0 : index
      %swap3A_30 = memref.load %arg3[%swap3A, %swap3A_29] : memref<1x1xf32, #tpu.memory_space<smem>>
      memref.store %add3A_28, %arg3[%swap3A, %swap3A_29] : memref<1x1xf32, #tpu.memory_space<smem>>
    } else {
    }
    return
  }
  func.func @transform_0(%arg0: i32) -> (i32, i32) {
    %c0_i32 = arith.constant 0 : i32
    %c0_i32_0 = arith.constant 0 : i32
    return %arg0, %c0_i32 : i32, i32
  }
  func.func @transform_1(%arg0: i32) -> (i32, i32) {
    %c0_i32 = arith.constant 0 : i32
    %c0_i32_0 = arith.constant 0 : i32
    return %arg0, %c0_i32 : i32, i32
  }
  func.func @transform_2(%arg0: i32) -> (i32, i32) {
    %c0_i32 = arith.constant 0 : i32
    %c0_i32_0 = arith.constant 0 : i32
    %c0_i32_1 = arith.constant 0 : i32
    return %c0_i32, %c0_i32_0 : i32, i32
  }
}

</mosaic_0001>

<sc_bundles>
// kernel: kernel.5.cloned.1.call-start
scs
__scs_entry_jumppad:
0x0: {  	(pc) =	sbr.rel $0x88, $3  }
0x1: {  	(tag) =	ssettag $0x0;
	lr =	simm.s32 $0x1  }
0x2: {  	[smem:$0x3F9E] =	sst lr;
	_ =	strace $0xD0000000  }
0x3: {  	_ = 	snop  }
0x4: {  	_ = 	snop  }
0x5: {  	_ = 	snop  }
0x6: {  	_ = 	snop  }
0x7: {  	_ = 	snop  }
__scs_overlays_trampoline_lowered:
0x8: {  	[smem:$0x3FAD] =	sst s0  }
0x9: {  	[smem:$0x3FAE] =	sst s1  }
0xa: {  	[smem:$0x3FAF] =	sst s2  }
0xb: {  	[smem:$0x3FB0] =	sst s3  }
0xc: {  	[smem:$0x3FB1] =	sst s4  }
0xd: {  	[smem:$0x3FB2] =	sst s5  }
0xe: {  	[smem:$0x3FB3] =	sst s6  }
0xf: {  	[smem:$0x3FB4] =	sst s7  }
0x10: {  	[smem:$0x3FB5] =	sst s8  }
0x11: {  	[smem:$0x3FB6] =	sst s9;
	s0 =	simm.s32 @!p0 $0x0  }
0x12: {  	s1 =	sld [smem:$0x3F9C];
	s0 =	simm.s32 @p0 $0x1  }
0x13: {  	[smem:$0x3FB7] =	sst s0;
	s0 =	simm.s32 @!p1 $0x0  }
0x14: {  	s2 =	sld [smem:$0x3F9B];
	s0 =	simm.s32 @p1 $0x1  }
0x15: {  	[smem:$0x3FB8] =	sst s0;
	s0 =	simm.s32 @!p2 $0x0  }
0x16: {  	s3 =	sld [smem:$0x3FDB];
	s0 =	simm.s32 @p2 $0x1  }
0x17: {  	s4 =	simm.s32 $0x1BF5;
	[smem:$0x3FBA] =	sst s0  }
0x18: {  	s0 =	sld [smem:$0x3F9D];
	_ =	swait.ge [sflag:s4], $0x0  }
0x19: {  	s7 =	sld [smem:$0x3F9E]  }
0x1a: {  	s8 =	sadd.s32 $0xFFFFE003, lr  }
0x1b: {  	s9 =	sadd.s32 $0xFFFFFEF7, lr;
	s5 =	simm.s32 $0xFFFFFFFF;
	p2 =	slt.u32 s8, $0xFFFFF086  }
0x1c: {  	p1 =	slt.u32 s9, $0xF7A;
	s5 =	simm.s32 @!p2 $0x0  }
0x1d: {  	s5 =	simm.s32 @p1 $0x1;
	p0 =	seq.s32 s7, s2  }
0x1e: {  	s7 =	smul.u32 @!p0 $0xF7A, s2;
	p2 =	seq.s32 @!p0 s5, $0x0  }
0x1f: {  	s9 =	smul.u32 $0xF7A, s1;
	s8 =	simm.s32 @!p0 $0x1BF5;
	p2 =	por !p2, p0  }
0x20: {  	[sflag:s8] =	ssyncset.s32 @!p0 $0xFFFFF086;
	s6 =	sadd.s32 @!p0 s3, s7;
	s7 =	simm.s32 @!p0 $0x108  }
0x21: {  	s3 =	sadd.s32 s3, s9;
	s6 =	sadd.s32 @!p0 $0x88, s6;
	s7 =	simm.s32 @p2 $0x1082  }
0x22: {  	[simem:s7], [sflag:s8] =	dma.local @!p0 [hbm:s6], $0xF7A  }
0x23: {  	s9 =	sor.u32 $0xD0000000, s2;
	s6 =	simm.s32 $0x108;
	_ =	swait.ge @!p0 [sflag:s8], $0x0  }
0x24: {  	s3 =	sadd.s32 $0x88, s3;
	s6 =	simm.s32 @!p1 $0x1082;
	[sflag:s4] =	ssyncset.s32 $0xFFFFF086  }
0x25: {  	[simem:s6], [sflag:s4] =	dma.local [hbm:s3], $0xF7A  }
0x26: {  	[smem:$0x3F9E] =	sst s1;
	(tag) =	ssettag s2;
	_ =	strace s9  }
0x27: {  	s1 =	sld [smem:$0x3FAE]  }
0x28: {  	s2 =	sld [smem:$0x3FAF]  }
0x29: {  	s4 =	sld [smem:$0x3FB1]  }
0x2a: {  	p0 =	seq.s32 s5, $0x0;
	s5 =	sld [smem:$0x3FB2]  }
0x2b: {  	s6 =	sld [smem:$0x3FB3]  }
0x2c: {  	s7 =	sld [smem:$0x3FB4]  }
0x2d: {  	s3 =	simm.s32 $0x108;
	s8 =	sld [smem:$0x3FB5]  }
0x2e: {  	s3 =	simm.s32 @!p0 $0x1082;
	s9 =	sld [smem:$0x3FB6]  }
0x2f: {  	lr =	sadd.s32 s0, s3;
	s0 =	sld [smem:$0x3FAD]  }
0x30: {  	s3 =	sld [smem:$0x3FB0]  }
0x31: {  	[smem:$0x3FB9] =	sst s10  }
0x32: {  	s10 =	sld [smem:$0x3FB7];
	_ =	sdelay $0x3  }
0x33: {  	p0 =	seq.s32 s10, $0x1;
	s10 =	sld [smem:$0x3FB9];
	_ =	sdelay $0x3  }
0x34: {  	[smem:$0x3FB9] =	sst s10  }
0x35: {  	s10 =	sld [smem:$0x3FB8];
	_ =	sdelay $0x3  }
0x36: {  	p1 =	seq.s32 s10, $0x1;
	s10 =	sld [smem:$0x3FB9];
	_ =	sdelay $0x3  }
0x37: {  	[smem:$0x3FB9] =	sst s10  }
0x38: {  	s10 =	sld [smem:$0x3FBA]  }
0x39: {  	_ = 	snop;
	(pc) =	sbr.ind lr, $3  }
0x3a: {  	_ = 	snop  }
0x3b: {  	_ = 	snop  }
0x3c: {  	p2 =	seq.s32 s10, $0x1;
	s10 =	sld [smem:$0x3FB9]  }
0x3d: {  	_ =	shalt  }
0x3e: {  	_ =	shalt  }
0x3f: {  	_ =	shalt  }
0x40: {  	_ =	shalt  }
0x41: {  	_ =	shalt  }
0x42: {  	_ =	shalt  }
0x43: {  	_ =	shalt  }
0x44: {  	_ =	shalt  }
0x45: {  	_ =	shalt  }
0x46: {  	_ =	shalt  }
0x47: {  	_ =	shalt  }
0x48: {  	_ =	shalt  }
0x49: {  	_ =	shalt  }
0x4a: {  	_ =	shalt  }
0x4b: {  	_ =	shalt  }
0x4c: {  	_ =	shalt  }
0x4d: {  	_ =	shalt  }
0x4e: {  	_ =	shalt  }
0x4f: {  	_ =	shalt  }
0x50: {  	_ =	shalt  }
0x51: {  	_ =	shalt  }
0x52: {  	_ =	shalt  }
0x53: {  	_ =	shalt  }
0x54: {  	_ =	shalt  }
0x55: {  	_ =	shalt  }
0x56: {  	_ =	shalt  }
0x57: {  	_ =	shalt  }
0x58: {  	_ =	shalt  }
0x59: {  	_ =	shalt  }
0x5a: {  	_ =	shalt  }
0x5b: {  	_ =	shalt  }
0x5c: {  	_ =	shalt  }
0x5d: {  	_ =	shalt  }
0x5e: {  	_ =	shalt  }
0x5f: {  	_ =	shalt  }
0x60: {  	_ =	shalt  }
0x61: {  	_ =	shalt  }
0x62: {  	_ =	shalt  }
0x63: {  	_ =	shalt  }
0x64: {  	_ =	shalt  }
0x65: {  	_ =	shalt  }
0x66: {  	_ =	shalt  }
0x67: {  	_ =	shalt  }
0x68: {  	_ =	shalt  }
0x69: {  	_ =	shalt  }
0x6a: {  	_ =	shalt  }
0x6b: {  	_ =	shalt  }
0x6c: {  	_ =	shalt  }
0x6d: {  	_ =	shalt  }
0x6e: {  	_ =	shalt  }
0x6f: {  	_ =	shalt  }
0x70: {  	_ =	shalt  }
0x71: {  	_ =	shalt  }
0x72: {  	_ =	shalt  }
0x73: {  	_ =	shalt  }
0x74: {  	_ =	shalt  }
0x75: {  	_ =	shalt  }
0x76: {  	_ =	shalt  }
0x77: {  	_ =	shalt  }
0x78: {  	_ =	shalt  }
0x79: {  	_ =	shalt  }
0x7a: {  	_ =	shalt  }
0x7b: {  	_ =	shalt  }
0x7c: {  	_ =	shalt  }
0x7d: {  	_ =	shalt  }
0x7e: {  	_ =	shalt  }
0x7f: {  	_ =	shalt  }
0x80: {  	_ =	shalt  }
0x81: {  	_ =	shalt  }
0x82: {  	_ =	shalt  }
0x83: {  	_ =	shalt  }
0x84: {  	_ =	shalt  }
0x85: {  	_ =	shalt  }
0x86: {  	_ =	shalt  }
0x87: {  	_ =	shalt  }
.Lfunc_end0:
.L_simem_size_0:
called_computation_lowered:
.L_overlay_start_0:
0x88: {  	s2 =	sld [smem:$0x3FD9]  }
0x89: {  	s3 =	sld [smem:$0x3FFE];
	_ =	sdelay $0x1  }
0x8a: {  	s1 =	srdreg.scid  }
0x8b: {  	s0 =	sand.u32 $0x1, s1  }
0x8c: {  	s17 =	sshll.u32 s0, $0xA;
	s2 =	sadd.s32 s3, s2  }
0x8d: {  	s2 =	sadd.s32 s2, s17  }
0x8e: {  	[smem:$0x3FC5] =	sst s2  }
0x8f: {  	_ = 	snop  }
0x90: {  	s2 =	sld [smem:$0x3FC7];
	(tm) =	ssettm $0x1  }
0x91: {  	s18 =	sld [smem:$0x3FFB];
	_ =	sdelay $0x3  }
0x92: {  	_ =	strace s18  }
0x93: {  	s3 =	sld [smem:$0x3FFC];
	_ =	sdelay $0x3  }
0x94: {  	_ =	strace s3  }
0x95: {  	s3 =	sld [smem:$0x3FFD];
	_ =	sdelay $0x3  }
0x96: {  	_ =	strace s3  }
0x97: {  	_ =	strace $0x8FFFFFFF  }
0x98: {  	s19 =	sld [smem:$0x3FDB];
	_ =	sdelay $0x1  }
0x99: {  	s4 =	simm.s32 $_scs_section_size  }
0x9a: {  	s5 =	simm.s32 $_size__tile_overlayer_lowered;
	s6 =	simm.s32 $_tile_overlayer_lowered  }
0x9b: {  	s22 =	simm.s32 $0x1BFF;
	s21 =	sshll.u32 s6, $0x1;
	s3 =	sadd.s32 s4, s19  }
0x9c: {  	s7 =	simm.s32 $0x0;
	s20 =	sshll.u32 s5, $0x1;
	s5 =	sadd.s32 s21, s3  }
0x9d: {  	[timem:s7], [sflag:s22] =	dma.local [hbm:s5], s20  }
0x9e: {  	_ =	swait.ge [sflag:s22], s20  }
0x9f: {  	s4 =	ssub.s32 $0x0, s20;
	[sflag:s22] =	ssyncset.done $0x0  }
0xa0: {  	[sflag:s22] =	ssyncadd.s32 s4;
	_ =	sdelay $0x1  }
0xa1: {  	s23 =	simm.s32 $0x1B8B  }
0xa2: {  	_ =	swait.ge [sflag:s23], $0x1  }
0xa3: {  	[sflag:s23] =	ssyncset.done $0x0  }
0xa4: {  	s25 =	simm.s32 $0x1B8E;
	s24 =	sld [smem:$0x3FFE];
	[sflag:s23] =	ssyncadd.s32 $0xFFFFFFFF  }
0xa5: {  	s26 =	simm.s32 $execute0_lowered;
	[smem:$0x3FD2] =	sst s25  }
0xa6: {  	s5 =	sshll.u32 s26, $0x1;
	_ =	strace $0x80000046;
	[dreg:$0x1] =	wrdreg $0xFFFFFFFF  }
0xa7: {  	s28 =	simm.s32 $_size_execute0_lowered;
	s3 =	sadd.s32 s3, s5;
	[dreg:$0x0] =	wrdreg $0x0  }
0xa8: {  	s5 =	sshll.u32 s28, $0x1;
	[dreg:$0x2] =	wrdreg s3  }
0xa9: {  	[dreg:$0x3] =	wrdreg s5  }
0xaa: {  	[dreg:$0x4] =	wrdreg $0xC0  }
0xab: {  	_ =	task [dreg:s7], $0x5FFFF  }
0xac: {  	[dreg:$0x1] =	wrdreg $0xFFFFFFFF  }
0xad: {  	[dreg:$0x0] =	wrdreg $0x60  }
0xae: {  	[dreg:$0x2] =	wrdreg s2  }
0xaf: {  	[dreg:$0x3] =	wrdreg s24  }
0xb0: {  	[dreg:$0x4] =	wrdreg $0x9  }
0xb1: {  	_ =	task.clear_ibuf [dreg:s7], $0x5FFFF;
	_ =	strace $0x90000046  }
0xb2: {  	s29 =	simm.s32 $0x9;
	_ =	strace $0x80000048  }
0xb3: {  	_ =	swait.ge [sflag:s29], $0x1  }
0xb4: {  	[sflag:s29] =	ssyncadd.s32 $0xFFFFFFFF  }
0xb5: {  	_ =	strace $0x90000048  }
0xb6: {  	_ =	sfence  }
0xb7: {  	s30 =	sld [smem:$0x0];
	_ =	sdelay $0x2  }
0xb8: {  	s31 =	sshll.u32 s1, $0xD;
	s1 =	sshrl.u32 s1, $0x2  }
0xb9: {  	s3 =	sand.u32 $0x4000, s31;
	s1 =	sadd.s32 s1, s30  }
0xba: {  	s0 =	sor.u32 s3, s0;
	s1 =	sshll.u32 s1, $0x11  }
0xbb: {  	s0 =	sor.u32 s1, s0  }
0xbc: {  	s0 =	sadd.s32 $0x8F2B, s0  }
0xbd: {  	[sflag:s0] =	ssyncadd.remote.s32 $0x1  }
0xbe: {  	_ =	sfence.sel $0xFFFF  }
0xbf: {  	[dreg:$0x0] =	wrdreg $0xFFFFFFFF;
	(pc) =	sbr.abs _section_cstart, $3  }
0xc0: {  	[dreg:$0x1] =	wrdreg $0xFFFFFFFF  }
0xc1: {  	_ =	task.clear_ibuf [dreg:s7], $0x2FFFF;
	_ =	strace $0x9FFFFFFF  }
0xc2: {  	(tm) =	ssettm $0x7FFFFFFF  }
0xc3: {  	_ =	shalt  }
tec
execute0_lowered:
.L_overlay_start_1:
0x0: {  	(tag) =	ssettag $0x1  }
0x1: {  	s2 =	rddreg [dreg:$0x0]  }
0x2: {  	s5 =	rddreg [dreg:$0x1]  }
0x3: {  	s1 =	stileid.u32;
	s3 =	srdreg.scid  }
0x4: {  	s0 =	rddreg [dreg:$0x2];
	s11 =	simm.s32 $0x1;
	s6 =	sand.u32 $0x1, s3  }
0x5: {  	s4 =	sshll.u32 s1, $0x1;
	s3 =	simm.s32 $0x0;
	s7 =	sshll.u32 s1, $0xC  }
0x6: {  	s8 =	sor.u32 s6, s4;
	[smem:$0x7FF] =	sst s3;
	s7 =	sand.u32 $0xC000, s7  }
0x7: {  	s6 =	ssub.s32 $0x2, s6;
	s4 =	smul.u32 $0x6400, s8;
	_ =	strace $0x80000047  }
0x8: {  	s5 =	sadd.s32 s7, s5;
	s31 =	sshll.u32 s8, $0x4;
	s10 =	sshrl.u32 s6, $0x1  }
0x9: {  	p0 =	sne.s32 s8, $0x0;
	s8 =	simm.s32 $0x6480;
	s7 =	sand.u32 $0x70, s31  }
0xa: {  	s10 =	ssub.s32 s6, s10;
	s9 =	sadd.s32 $0xFFFFFFF8, s4;
	s7 =	sadd.s32 s7, s5  }
0xb: {  	s9 =	sshrl.u32 s9, $0x3;
	s6 =	sadd.s32 $0x600, s7;
	s7 =	smax.u32 s10, $0x1  }
0xc: {  	v0 =	vimm.s32 $0xC8000;
	v1 =	vlaneseq.u32;
	s10 =	simm.s32 $0x400;
	s5 =	sadd.s32 s2, s9;
	s9 =	simm.s32 $0x80  }
.LBB2_1:
0xd: {  	s12 =	simm.s32 @p0 $0x0  }
0xe: {  	[tilespmem:s12], [sflag:$0x1] =	stream.linear.gather @p0 [hbm4b:s5+s12], $0x6408, $0x38;
	[tilespmem:$0xA480] =	vst v63  }
0xf: {  	s12 =	simm.s32 @p0 $0x1  }
0x10: {  	_ =	swait.ge @p0 [sflag:s12], $0x6408  }
0x11: {  	[sflag:s12] =	ssyncset.done @p0 $0x0  }
0x12: {  	v2 =	vimm.s32 @!p0 $0xFFFFFFFF;
	[sflag:s12] =	ssyncadd.s32 @p0 $0xFFFF9BF8  }
0x13: {  	s13 =	simm.s32 @!p0 $0x8;
	s12 =	simm.s32 @!p0 $0x0;
	[tilespmem:$0x0] =	vst @!p0 v2  }
0x14: {  	[tilespmem:s13], [sflag:$0x1] =	stream.linear.gather @!p0 [hbm4b:s2+s12], $0x6400, $0x38;
	[tilespmem:$0xA480] =	vst v63  }
0x15: {  	s12 =	simm.s32 @!p0 $0x1  }
0x16: {  	_ =	swait.ge @!p0 [sflag:s12], $0x6400  }
0x17: {  	[sflag:s12] =	ssyncset.done @!p0 $0x0  }
0x18: {  	[sflag:s12] =	ssyncadd.s32 @!p0 $0xFFFF9C00;
	s12 =	simm.s32 $0x0  }
.LBB2_2:
0x19: {  	p1 =	sne.s32 s12, $0xFF00  }
.Ltmp0:
0x1a: {  	s13 =	sshra.s32 s12, $0x2;
	(pc) =	sbr.rel @p1 .LBB2_2-.Ltmp0, $4  }
0x1b: {  	[tilespmem:s13+$0x6480] =	vst v0  }
0x1c: {  	[tilespmem:s13+$0x6490] =	vst v0  }
0x1d: {  	[tilespmem:s13+$0x64A0] =	vst v0  }
0x1e: {  	s12 =	sadd.s32 $0x100, s12;
	[tilespmem:s13+$0x64B0] =	vst v0  }
0x1f: {  	s12 =	simm.s32 $0x0;
	s13 =	simm.s32 $0x27  }
.LBB2_4:
0x20: {  	v2 =	vld [tilespmem:s13+$0xFFFFFFE1]  }
0x21: {  	v3 =	vld [tilespmem:s13+$0xFFFFFFE0];
	_ =	sdelay $0x4  }
0x22: {  	vm0 =	vne.s32 v2, v3;
	_ =	sdelay $0x3  }
0x23: {  	s14 =	sadd.s32 s12, s4  }
0x24: {  	v3 =	vor.u32 s14, v1  }
0x25: {  	[tilespmem:v2+s8+$0x0] =	vst.idx.msk vm0, v3  }
0x26: {  	v2 =	vld [tilespmem:s13+$0xFFFFFFF1]  }
0x27: {  	v3 =	vld [tilespmem:s13+$0xFFFFFFF0];
	_ =	sdelay $0x4  }
0x28: {  	vm13 =	vne.s32 v2, v3;
	_ =	sdelay $0x3  }
0x29: {  	s15 =	sadd.s32 $0x10, s14  }
0x2a: {  	v3 =	vor.u32 s15, v1  }
0x2b: {  	[tilespmem:v2+s8+$0x0] =	vst.idx.msk vm13, v3  }
0x2c: {  	v2 =	vld [tilespmem:s13+$0x1]  }
0x2d: {  	v3 =	vld [tilespmem:s13+$0x0];
	_ =	sdelay $0x4  }
0x2e: {  	vm14 =	vne.s32 v2, v3;
	_ =	sdelay $0x3  }
0x2f: {  	s31 =	sadd.s32 $0x20, s14  }
0x30: {  	v3 =	vor.u32 s31, v1  }
0x31: {  	[tilespmem:v2+s8+$0x0] =	vst.idx.msk vm14, v3  }
0x32: {  	v2 =	vld [tilespmem:s13+$0x11]  }
0x33: {  	v3 =	vld [tilespmem:s13+$0x10];
	_ =	sdelay $0x4  }
0x34: {  	vm15 =	vne.s32 v2, v3  }
0x35: {  	p1 =	sne.s32 s12, $0x63C0  }
.Ltmp1:
0x36: {  	_ = 	snop;
	(pc) =	sbr.rel @p1 .LBB2_4-.Ltmp1, $4  }
0x37: {  	_ = 	snop  }
0x38: {  	s14 =	sadd.s32 $0x30, s14  }
0x39: {  	v3 =	vor.u32 s14, v1  }
0x3a: {  	s12 =	sadd.s32 $0x40, s12;
	s13 =	sadd.s32 $0x40, s13;
	[tilespmem:v2+s8+$0x0] =	vst.idx.msk vm15, v3  }
0x3b: {  	s3 =	sadd.s32 $0x1, s3  }
0x3c: {  	p1 =	sne.s32 s3, s7  }
.Ltmp2:
0x3d: {  	_ = 	snop;
	(pc) =	sbr.rel @p1 .LBB2_1-.Ltmp2, $4  }
0x3e: {  	[hbm4b:s6+s9] =	stream.strided.scatter [tilespmem:s8], [sflag:$0x1], $0x4000, s10, s9, $0x38;
	[tilespmem:$0xA480] =	vst v63  }
0x3f: {  	_ =	swait.ge [sflag:s11], $0x4000  }
0x40: {  	[sflag:s11] =	ssyncset.done $0x0  }
0x41: {  	[sflag:s11] =	ssyncadd.s32 $0xFFFFC000  }
0x42: {  	_ =	sfence.sel $0x180000  }
0x43: {  	[bflag:$0x0] =	sbarrier.arrive $0xFFFF  }
0x44: {  	p0 =	sne.s32 s1, $0x0;
	_ =	strace $0x90000047  }
0x45: {  	s0 =	sadd.s32 @!p0 $0x100000, s0;
	[bflag:$0x2] =	sbarrier.arrive $0xFFFF  }
0x46: {  	[sflag:s0] =	ssyncadd.tile.s32 @!p0 $0x1;
	_ =	shalt  }
.Lfunc_end2:
_tile_overlayer_lowered:
.L_overlay_start_2:
0x47: {  	(tag) =	ssettag $0x2  }
0x48: {  	s0 =	rddreg [dreg:$0x0];
	s2 =	stileid.u32  }
0x49: {  	s1 =	rddreg [dreg:$0x1];
	p0 =	sne.s32 s2, $0x0  }
0x4a: {  	s3 =	rddreg [dreg:$0x2];
	[bflag:$0x3] =	sbarrier.arrive $0xFFFF;
	s2 =	simm.s32 @!p0 $0x1C01  }
0x4b: {  	[timem:s3], [sflag:s2] =	dma.local @!p0 [hbm:s0], s1  }
0x4c: {  	s0 =	simm.s32 @!p0 $0x1  }
0x4d: {  	_ =	swait.ge @!p0 [sflag:s0], s1  }
0x4e: {  	s1 =	ssub.s32 @!p0 $0x0, s1;
	[sflag:s0] =	ssyncset.done @!p0 $0x0  }
0x4f: {  	[sflag:s0] =	ssyncadd.s32 @!p0 s1  }
0x50: {  	[bflag:$0x3] =	sbarrier.arrive $0xFFFF  }
0x51: {  	_ =	shalt  }

// kernel: kernel.8.cloned.1.call-start
scs
__scs_entry_jumppad:
0x0: {  	(pc) =	sbr.rel $0x88, $3  }
0x1: {  	(tag) =	ssettag $0x0;
	lr =	simm.s32 $0x1  }
0x2: {  	[smem:$0x3F9E] =	sst lr;
	_ =	strace $0xD0000000  }
0x3: {  	_ = 	snop  }
0x4: {  	_ = 	snop  }
0x5: {  	_ = 	snop  }
0x6: {  	_ = 	snop  }
0x7: {  	_ = 	snop  }
__scs_overlays_trampoline_lowered:
0x8: {  	[smem:$0x3FAD] =	sst s0  }
0x9: {  	[smem:$0x3FAE] =	sst s1  }
0xa: {  	[smem:$0x3FAF] =	sst s2  }
0xb: {  	[smem:$0x3FB0] =	sst s3  }
0xc: {  	[smem:$0x3FB1] =	sst s4  }
0xd: {  	[smem:$0x3FB2] =	sst s5  }
0xe: {  	[smem:$0x3FB3] =	sst s6  }
0xf: {  	[smem:$0x3FB4] =	sst s7  }
0x10: {  	[smem:$0x3FB5] =	sst s8  }
0x11: {  	[smem:$0x3FB6] =	sst s9;
	s0 =	simm.s32 @!p0 $0x0  }
0x12: {  	s1 =	sld [smem:$0x3F9C];
	s0 =	simm.s32 @p0 $0x1  }
0x13: {  	[smem:$0x3FB7] =	sst s0;
	s0 =	simm.s32 @!p1 $0x0  }
0x14: {  	s2 =	sld [smem:$0x3F9B];
	s0 =	simm.s32 @p1 $0x1  }
0x15: {  	[smem:$0x3FB8] =	sst s0;
	s0 =	simm.s32 @!p2 $0x0  }
0x16: {  	s3 =	sld [smem:$0x3FDB];
	s0 =	simm.s32 @p2 $0x1  }
0x17: {  	s4 =	simm.s32 $0x1BF5;
	[smem:$0x3FBA] =	sst s0  }
0x18: {  	s0 =	sld [smem:$0x3F9D];
	_ =	swait.ge [sflag:s4], $0x0  }
0x19: {  	s7 =	sld [smem:$0x3F9E]  }
0x1a: {  	s8 =	sadd.s32 $0xFFFFE003, lr  }
0x1b: {  	s9 =	sadd.s32 $0xFFFFFEF7, lr;
	s5 =	simm.s32 $0xFFFFFFFF;
	p2 =	slt.u32 s8, $0xFFFFF086  }
0x1c: {  	p1 =	slt.u32 s9, $0xF7A;
	s5 =	simm.s32 @!p2 $0x0  }
0x1d: {  	s5 =	simm.s32 @p1 $0x1;
	p0 =	seq.s32 s7, s2  }
0x1e: {  	s7 =	smul.u32 @!p0 $0xF7A, s2;
	p2 =	seq.s32 @!p0 s5, $0x0  }
0x1f: {  	s9 =	smul.u32 $0xF7A, s1;
	s8 =	simm.s32 @!p0 $0x1BF5;
	p2 =	por !p2, p0  }
0x20: {  	[sflag:s8] =	ssyncset.s32 @!p0 $0xFFFFF086;
	s6 =	sadd.s32 @!p0 s3, s7;
	s7 =	simm.s32 @!p0 $0x108  }
0x21: {  	s3 =	sadd.s32 s3, s9;
	s6 =	sadd.s32 @!p0 $0x88, s6;
	s7 =	simm.s32 @p2 $0x1082  }
0x22: {  	[simem:s7], [sflag:s8] =	dma.local @!p0 [hbm:s6], $0xF7A  }
0x23: {  	s9 =	sor.u32 $0xD0000000, s2;
	s6 =	simm.s32 $0x108;
	_ =	swait.ge @!p0 [sflag:s8], $0x0  }
0x24: {  	s3 =	sadd.s32 $0x88, s3;
	s6 =	simm.s32 @!p1 $0x1082;
	[sflag:s4] =	ssyncset.s32 $0xFFFFF086  }
0x25: {  	[simem:s6], [sflag:s4] =	dma.local [hbm:s3], $0xF7A  }
0x26: {  	[smem:$0x3F9E] =	sst s1;
	(tag) =	ssettag s2;
	_ =	strace s9  }
0x27: {  	s1 =	sld [smem:$0x3FAE]  }
0x28: {  	s2 =	sld [smem:$0x3FAF]  }
0x29: {  	s4 =	sld [smem:$0x3FB1]  }
0x2a: {  	p0 =	seq.s32 s5, $0x0;
	s5 =	sld [smem:$0x3FB2]  }
0x2b: {  	s6 =	sld [smem:$0x3FB3]  }
0x2c: {  	s7 =	sld [smem:$0x3FB4]  }
0x2d: {  	s3 =	simm.s32 $0x108;
	s8 =	sld [smem:$0x3FB5]  }
0x2e: {  	s3 =	simm.s32 @!p0 $0x1082;
	s9 =	sld [smem:$0x3FB6]  }
0x2f: {  	lr =	sadd.s32 s0, s3;
	s0 =	sld [smem:$0x3FAD]  }
0x30: {  	s3 =	sld [smem:$0x3FB0]  }
0x31: {  	[smem:$0x3FB9] =	sst s10  }
0x32: {  	s10 =	sld [smem:$0x3FB7];
	_ =	sdelay $0x3  }
0x33: {  	p0 =	seq.s32 s10, $0x1;
	s10 =	sld [smem:$0x3FB9];
	_ =	sdelay $0x3  }
0x34: {  	[smem:$0x3FB9] =	sst s10  }
0x35: {  	s10 =	sld [smem:$0x3FB8];
	_ =	sdelay $0x3  }
0x36: {  	p1 =	seq.s32 s10, $0x1;
	s10 =	sld [smem:$0x3FB9];
	_ =	sdelay $0x3  }
0x37: {  	[smem:$0x3FB9] =	sst s10  }
0x38: {  	s10 =	sld [smem:$0x3FBA]  }
0x39: {  	_ = 	snop;
	(pc) =	sbr.ind lr, $3  }
0x3a: {  	_ = 	snop  }
0x3b: {  	_ = 	snop  }
0x3c: {  	p2 =	seq.s32 s10, $0x1;
	s10 =	sld [smem:$0x3FB9]  }
0x3d: {  	_ =	shalt  }
0x3e: {  	_ =	shalt  }
0x3f: {  	_ =	shalt  }
0x40: {  	_ =	shalt  }
0x41: {  	_ =	shalt  }
0x42: {  	_ =	shalt  }
0x43: {  	_ =	shalt  }
0x44: {  	_ =	shalt  }
0x45: {  	_ =	shalt  }
0x46: {  	_ =	shalt  }
0x47: {  	_ =	shalt  }
0x48: {  	_ =	shalt  }
0x49: {  	_ =	shalt  }
0x4a: {  	_ =	shalt  }
0x4b: {  	_ =	shalt  }
0x4c: {  	_ =	shalt  }
0x4d: {  	_ =	shalt  }
0x4e: {  	_ =	shalt  }
0x4f: {  	_ =	shalt  }
0x50: {  	_ =	shalt  }
0x51: {  	_ =	shalt  }
0x52: {  	_ =	shalt  }
0x53: {  	_ =	shalt  }
0x54: {  	_ =	shalt  }
0x55: {  	_ =	shalt  }
0x56: {  	_ =	shalt  }
0x57: {  	_ =	shalt  }
0x58: {  	_ =	shalt  }
0x59: {  	_ =	shalt  }
0x5a: {  	_ =	shalt  }
0x5b: {  	_ =	shalt  }
0x5c: {  	_ =	shalt  }
0x5d: {  	_ =	shalt  }
0x5e: {  	_ =	shalt  }
0x5f: {  	_ =	shalt  }
0x60: {  	_ =	shalt  }
0x61: {  	_ =	shalt  }
0x62: {  	_ =	shalt  }
0x63: {  	_ =	shalt  }
0x64: {  	_ =	shalt  }
0x65: {  	_ =	shalt  }
0x66: {  	_ =	shalt  }
0x67: {  	_ =	shalt  }
0x68: {  	_ =	shalt  }
0x69: {  	_ =	shalt  }
0x6a: {  	_ =	shalt  }
0x6b: {  	_ =	shalt  }
0x6c: {  	_ =	shalt  }
0x6d: {  	_ =	shalt  }
0x6e: {  	_ =	shalt  }
0x6f: {  	_ =	shalt  }
0x70: {  	_ =	shalt  }
0x71: {  	_ =	shalt  }
0x72: {  	_ =	shalt  }
0x73: {  	_ =	shalt  }
0x74: {  	_ =	shalt  }
0x75: {  	_ =	shalt  }
0x76: {  	_ =	shalt  }
0x77: {  	_ =	shalt  }
0x78: {  	_ =	shalt  }
0x79: {  	_ =	shalt  }
0x7a: {  	_ =	shalt  }
0x7b: {  	_ =	shalt  }
0x7c: {  	_ =	shalt  }
0x7d: {  	_ =	shalt  }
0x7e: {  	_ =	shalt  }
0x7f: {  	_ =	shalt  }
0x80: {  	_ =	shalt  }
0x81: {  	_ =	shalt  }
0x82: {  	_ =	shalt  }
0x83: {  	_ =	shalt  }
0x84: {  	_ =	shalt  }
0x85: {  	_ =	shalt  }
0x86: {  	_ =	shalt  }
0x87: {  	_ =	shalt  }
.Lfunc_end0:
.L_simem_size_0:
called_computation.1_lowered:
.L_overlay_start_0:
0x88: {  	s2 =	sld [smem:$0x3FD9]  }
0x89: {  	s3 =	sld [smem:$0x3FFE];
	_ =	sdelay $0x1  }
0x8a: {  	s1 =	srdreg.scid  }
0x8b: {  	s0 =	sand.u32 $0x1, s1  }
0x8c: {  	s17 =	sshll.u32 s0, $0xA;
	s2 =	sadd.s32 s3, s2  }
0x8d: {  	s2 =	sadd.s32 s2, s17  }
0x8e: {  	[smem:$0x3FC5] =	sst s2  }
0x8f: {  	_ = 	snop  }
0x90: {  	s2 =	sld [smem:$0x3FC9]  }
0x91: {  	s18 =	sld [smem:$0x3FC8]  }
0x92: {  	s4 =	sld [smem:$0x3FC7];
	(tm) =	ssettm $0x1  }
0x93: {  	s5 =	sld [smem:$0x3FFB];
	_ =	sdelay $0x3  }
0x94: {  	_ =	strace s5  }
0x95: {  	s5 =	sld [smem:$0x3FFC];
	_ =	sdelay $0x3  }
0x96: {  	_ =	strace s5  }
0x97: {  	s5 =	sld [smem:$0x3FFD];
	_ =	sdelay $0x3  }
0x98: {  	_ =	strace s5  }
0x99: {  	_ =	strace $0x8FFFFFFF  }
0x9a: {  	s19 =	sld [smem:$0x3FDB];
	_ =	sdelay $0x1  }
0x9b: {  	s6 =	simm.s32 $_scs_section_size  }
0x9c: {  	s7 =	simm.s32 $_size__tile_overlayer_lowered;
	s8 =	simm.s32 $_tile_overlayer_lowered  }
0x9d: {  	s22 =	simm.s32 $0x1BFF;
	s21 =	sshll.u32 s8, $0x1;
	s5 =	sadd.s32 s6, s19  }
0x9e: {  	s9 =	simm.s32 $0x0;
	s20 =	sshll.u32 s7, $0x1;
	s7 =	sadd.s32 s21, s5  }
0x9f: {  	[timem:s9], [sflag:s22] =	dma.local [hbm:s7], s20  }
0xa0: {  	_ =	swait.ge [sflag:s22], s20  }
0xa1: {  	s6 =	ssub.s32 $0x0, s20;
	[sflag:s22] =	ssyncset.done $0x0  }
0xa2: {  	[sflag:s22] =	ssyncadd.s32 s6;
	_ =	sdelay $0x1  }
0xa3: {  	s23 =	simm.s32 $0x1B8B  }
0xa4: {  	_ =	swait.ge [sflag:s23], $0x1  }
0xa5: {  	[sflag:s23] =	ssyncset.done $0x0  }
0xa6: {  	s25 =	simm.s32 $0x1B8E;
	s24 =	sld [smem:$0x3FFE];
	[sflag:s23] =	ssyncadd.s32 $0xFFFFFFFF  }
0xa7: {  	s26 =	simm.s32 $execute0_lowered;
	[smem:$0x3FD2] =	sst s25  }
0xa8: {  	s7 =	sshll.u32 s26, $0x1;
	_ =	strace $0x80000049;
	[dreg:$0x1] =	wrdreg $0xFFFFFFFF  }
0xa9: {  	s28 =	simm.s32 $_size_execute0_lowered;
	s5 =	sadd.s32 s5, s7;
	[dreg:$0x0] =	wrdreg $0x0  }
0xaa: {  	s7 =	sshll.u32 s28, $0x1;
	[dreg:$0x2] =	wrdreg s5  }
0xab: {  	[dreg:$0x3] =	wrdreg s7  }
0xac: {  	[dreg:$0x4] =	wrdreg $0xC0  }
0xad: {  	_ =	task [dreg:s9], $0x5FFFF  }
0xae: {  	[dreg:$0x1] =	wrdreg $0xFFFFFFFF  }
0xaf: {  	[dreg:$0x0] =	wrdreg $0x60  }
0xb0: {  	[dreg:$0x2] =	wrdreg s24  }
0xb1: {  	[dreg:$0x3] =	wrdreg s4  }
0xb2: {  	[dreg:$0x4] =	wrdreg s2  }
0xb3: {  	[dreg:$0x5] =	wrdreg s18  }
0xb4: {  	[dreg:$0x6] =	wrdreg $0x9  }
0xb5: {  	_ =	task.clear_ibuf [dreg:s9], $0x7FFFF;
	_ =	strace $0x90000049  }
0xb6: {  	s29 =	simm.s32 $0x9;
	_ =	strace $0x8000004B  }
0xb7: {  	_ =	swait.ge [sflag:s29], $0x1  }
0xb8: {  	[sflag:s29] =	ssyncadd.s32 $0xFFFFFFFF  }
0xb9: {  	_ =	strace $0x9000004B  }
0xba: {  	_ =	sfence  }
0xbb: {  	s30 =	sld [smem:$0x0];
	_ =	sdelay $0x2  }
0xbc: {  	s31 =	sshll.u32 s1, $0xD;
	s1 =	sshrl.u32 s1, $0x2  }
0xbd: {  	s3 =	sand.u32 $0x4000, s31;
	s1 =	sadd.s32 s1, s30  }
0xbe: {  	s0 =	sor.u32 s3, s0;
	s1 =	sshll.u32 s1, $0x11  }
0xbf: {  	s0 =	sor.u32 s1, s0  }
0xc0: {  	s0 =	sadd.s32 $0x8F2B, s0  }
0xc1: {  	[sflag:s0] =	ssyncadd.remote.s32 $0x1  }
0xc2: {  	_ =	sfence.sel $0xFFFF  }
0xc3: {  	[dreg:$0x0] =	wrdreg $0xFFFFFFFF;
	(pc) =	sbr.abs _section_cstart, $3  }
0xc4: {  	[dreg:$0x1] =	wrdreg $0xFFFFFFFF  }
0xc5: {  	_ =	task.clear_ibuf [dreg:s9], $0x2FFFF;
	_ =	strace $0x9FFFFFFF  }
0xc6: {  	(tm) =	ssettm $0x7FFFFFFF  }
0xc7: {  	_ =	shalt  }
tec
execute0_lowered:
.L_overlay_start_1:
0x0: {  	(tag) =	ssettag $0x1  }
0x1: {  	s0 =	rddreg [dreg:$0x0]  }
0x2: {  	s1 =	rddreg [dreg:$0x1]  }
0x3: {  	s3 =	rddreg [dreg:$0x2];
	s2 =	srdreg.scid  }
0x4: {  	s5 =	stileid.u32;
	s4 =	rddreg [dreg:$0x3];
	s12 =	simm.s32 $0x1  }
0x5: {  	s15 =	simm.s32 $0x280;
	s16 =	simm.s32 $0x4280;
	s17 =	simm.s32 $0x6300  }
0x6: {  	s18 =	simm.s32 $0x8380;
	s19 =	simm.s32 $0xA480;
	s20 =	simm.s32 $0x0  }
0x7: {  	s2 =	sand.u32 $0x1, s2;
	s6 =	sshll.u32 s5, $0x1;
	s5 =	simm.s32 $0x0  }
.Ltmp0:
0x8: {  	s7 =	sadd.s32 $0x10600, s0;
	s8 =	sor.u32 s2, s6;
	(pc) =	sbr.rel .LBB2_1-.Ltmp0, $4  }
0x9: {  	v0 =	vlaneseq.u32;
	[smem:$0x7FF] =	sst s5;
	s2 =	ssub.s32 $0x2, s2;
	s6 =	sshll.u32 s8, $0x9  }
0xa: {  	v2 =	vmul.u32 $0xFFFFFFFF, v0;
	_ =	strace $0x8000004A;
	s8 =	sshll.u32 s8, $0x4;
	s10 =	sshrl.u32 s2, $0x1  }
0xb: {  	v1 =	vimm.s32 $0x0;
	vm0 =	vcmask $0x300;
	s9 =	sadd.s32 s6, s0;
	s0 =	sadd.s32 s8, s0;
	s2 =	ssub.s32 s2, s10  }
0xc: {  	vm1 =	vcmask $0x704;
	v0 =	vimm.s32 $0x4000;
	v2 =	vadd.s32 $0xF, v2;
	s8 =	sadd.s32 $0x600, s9;
	s9 =	sadd.s32 $0x10800, s0;
	s10 =	smax.u32 s2, $0x1  }
.LBB2_23:
0xd: {  	(xrf0) =	vadd.scan.msk.s32 $0xffff, v4;
	_ =	sdelay $0x5  }
0xe: {  	v3, _, _ =	vpop (xrf0)  }
0xf: {  	(v2sf) =	vpush v3, $0xF;
	_ =	sdelay $0xe  }
0x10: {  	s0 =	spop (v2sf)  }
0x11: {  	v3 =	vmov s21;
	s0 =	scvt.s32.f32 s0  }
0x12: {  	s20 =	sadd.s32 $0x1, s20;
	v3 =	vnsel vm0, $0x0, v3  }
0x13: {  	p0 =	sne.s32 s20, s10;
	v3 =	vsel vm1, s0, v3  }
.Ltmp1:
0x14: {  	[tilespmem:$0xA480] =	vst v3;
	(pc) =	sbr.rel @!p0 .LBB2_24-.Ltmp1, $4  }
0x15: {  	[hbm4b:s9+s5] =	stream.linear.scatter [tilespmem:s19], [sflag:$0x1], $0x80, $0x38;
	[tilespmem:$0xA500] =	vst v63  }
0x16: {  	_ =	swait.ge [sflag:s12], $0x80  }
0x17: {  	[sflag:s12] =	ssyncset.done $0x0  }
0x18: {  	[sflag:s12] =	ssyncadd.s32 $0xFFFFFF80  }
.LBB2_1:
0x19: {  	s0 =	simm.s32 $0xA400  }
0x1a: {  	[tilespmem:s0], [sflag:$0x1] =	stream.linear.gather [hbm4b:s7+s5], $0x80, $0x38;
	[tilespmem:$0xA500] =	vst v63  }
0x1b: {  	_ =	swait.ge [sflag:s12], $0x80  }
0x1c: {  	[sflag:s12] =	ssyncset.done $0x0  }
0x1d: {  	[sflag:s12] =	ssyncadd.s32 $0xFFFFFF80  }
0x1e: {  	[tilespmem:$0x6280] =	vst v0  }
0x1f: {  	[tilespmem:$0x6290] =	vst v0  }
0x20: {  	[tilespmem:$0x62A0] =	vst v0  }
0x21: {  	s31 =	simm.s32 $0x1000;
	s2 =	simm.s32 $0x20000;
	[tilespmem:$0x62B0] =	vst v0  }
0x22: {  	v3 =	vld [tilespmem:$0xA400];
	[tilespmem:s15], [sflag:$0x1] =	stream.strided.gather [hbm4b:s8+s31], $0x4000, s2, s31, $0x38  }
0x23: {  	_ =	swait.ge [sflag:s12], $0x4000  }
0x24: {  	[sflag:s12] =	ssyncset.done $0x0  }
0x25: {  	s0 =	simm.s32 $0x0;
	[sflag:s12] =	ssyncadd.s32 $0xFFFFC000  }
.LBB2_2:
0x26: {  	s2 =	sshll.u32 s0, $0x4  }
0x27: {  	s13 =	sand.u32 $0x70, s2  }
0x28: {  	s11 =	sshll.u32 s0, $0x7;
	v4 =	vmov s13  }
0x29: {  	s21 =	simm.s32 $0x200;
	s11 =	sand.u32 $0xC00, s11  }
0x2a: {  	s22 =	simm.s32 $0x80;
	s21 =	sand.u32 $0x3000, s21;
	s11 =	sor.u32 $0x280, s11  }
0x2b: {  	s22 =	sand.u32 $0x380, s22;
	s13 =	sor.u32 s13, s11;
	s21 =	sor.u32 s21, s11  }
0x2c: {  	v5 =	vld [tilespmem:s13+$0x0];
	s21 =	sadd.s32 s22, s21  }
0x2d: {  	v6 =	vld.idx.msk [tilespmem:v4+s21+$0x0 ss:$0x1], $0xffff  }
0x2e: {  	s13 =	simm.s32 $0x400;
	s21 =	simm.s32 $0x100  }
.LBB2_3:
0x2f: {  	s22 =	sand.u32 $0x3000, s13;
	p0 =	sne.s32 s13, $0x3E00;
	s13 =	sadd.s32 $0x200, s13  }
.Ltmp2:
0x30: {  	s23 =	sand.u32 $0x380, s21;
	s22 =	sor.u32 s22, s11;
	(pc) =	sbr.rel @p0 .LBB2_3-.Ltmp2, $4  }
0x31: {  	s22 =	sadd.s32 s23, s22  }
0x32: {  	vm2 =	vlt.s32 v5, v6;
	v7 =	vmov v6;
	v6 =	vld.idx.msk [tilespmem:v4+s22+$0x0 ss:$0x1], $0xffff  }
0x33: {  	v5 =	vsel vm2, v5, v7  }
0x34: {  	s21 =	sadd.s32 $0x80, s21  }
0x35: {  	s0 =	sadd.s32 $0x1, s0  }
0x36: {  	p0 =	sne.s32 s0, $0x20  }
.Ltmp3:
0x37: {  	_ = 	snop;
	(pc) =	sbr.rel @p0 .LBB2_2-.Ltmp3, $4  }
0x38: {  	_ = 	snop  }
0x39: {  	vm2 =	vlt.s32 v5, v6  }
0x3a: {  	v4 =	vsel vm2, v5, v6  }
0x3b: {  	[tilespmem:s2+$0x0] =	vst v4  }
0x3c: {  	v5 =	vimm.s32 $0xC8000;
	v4 =	vimm.s32 $0x0;
	s0 =	simm.s32 $0x1F0;
	s2 =	simm.s32 $0x780  }
.LBB2_6:
0x3d: {  	p0 =	sne.s32 s2, $0x0;
	v6 =	vld [tilespmem:s0+$0x0];
	_ =	sdelay $0x4  }
0x3e: {  	vm2 =	vlt.s32 v6, $0xC8000;
	v6 =	vperm.xlane v6, v2  }
0x3f: {  	v7 =	vsel vm2, $0x1, v1  }
0x40: {  	v4 =	vadd.s32 v7, v4;
	v6 =	vsub.s32 $0x80000000, v6  }
0x41: {  	(xrf0) =	vmax.scan.msk.u32 $0xffff, v6;
	_ =	sdelay $0x5  }
0x42: {  	v6, _, _ =	vpop (xrf0)  }
0x43: {  	v6 =	vxor.u32 $0x7FFFFFFF, v6  }
0x44: {  	v6 =	vadd.s32 $0x1, v6  }
.Ltmp4:
0x45: {  	v6 =	vperm.xlane v6, v2;
	(pc) =	sbr.rel @p0 .LBB2_6-.Ltmp4, $4  }
0x46: {  	_ = 	snop  }
0x47: {  	vm2 =	vlt.s32 v6, v5  }
0x48: {  	v5 =	vsel vm2, v6, v5  }
0x49: {  	[tilespmem:s0+$0x0] =	vst v5;
	s0 =	sshra.s32 s2, $0x2;
	s2 =	sadd.s32 $0xFFFFFFC0, s2;
	v5 =	vbroadcast v5, $0x0  }
0x4a: {  	v6 =	vld [tilespmem:s0+$0x0];
	_ =	sdelay $0x4  }
0x4b: {  	v7 =	vperm.xlane v6, v2;
	_ =	sdelay $0x1  }
0x4c: {  	v7 =	vsub.s32 $0x80000000, v7  }
0x4d: {  	(xrf0) =	vmax.scan.msk.u32 $0xffff, v7;
	_ =	sdelay $0x5  }
0x4e: {  	v7, _, _ =	vpop (xrf0)  }
0x4f: {  	v7 =	vxor.u32 $0x7FFFFFFF, v7  }
0x50: {  	v7 =	vadd.s32 $0x1, v7  }
.Ltmp5:
0x51: {  	v7 =	vperm.xlane v7, v2;
	(pc) =	sbr.rel .LBB2_8-.Ltmp5, $4  }
0x52: {  	_ = 	snop  }
0x53: {  	vm2 =	vlt.s32 v6, $0xC8000;
	vm3 =	vlt.s32 v7, v5  }
0x54: {  	v6 =	vsel vm2, $0x1, v1;
	v5 =	vsel vm3, v7, v5  }
0x55: {  	s22 =	simm.s32 $0x0;
	s23 =	simm.s32 $0xFFFFC000;
	s21 =	simm.f32 $0.0e+00;
	v4 =	vadd.s32 v6, v4;
	[tilespmem:s0+$0x0] =	vst v5  }
.LBB2_22:
0x56: {  	_ = 	snop  }
0x57: {  	v6 =	vmax.f32 v6, $0.0e+00;
	v5 =	vmul.f32 v5, v3  }
0x58: {  	v6 =	vmul.f32 v6, v3  }
0x59: {  	(xrf2) =	vadd.scan.msk.f32 $0xffff, v5;
	v5 =	vmul.f32 v7, v3;
	v7 =	vmax.f32 v9, $0.0e+00  }
0x5a: {  	(xrf2) =	vadd.scan.msk.f32 $0xffff, v6;
	v6 =	vmul.f32 v7, v3  }
0x5b: {  	(xrf2) =	vadd.scan.msk.f32 $0xffff, v5  }
0x5c: {  	(xrf2) =	vadd.scan.msk.f32 $0xffff, v6;
	_ =	sdelay $0x6  }
0x5d: {  	v5, _, _ =	vpop (xrf2)  }
0x5e: {  	v6, _, _ =	vpop (xrf2)  }
0x5f: {  	v7, _, _ =	vpop (xrf2);
	vm2 =	vgt.f32 v6, $0.0e+00  }
0x60: {  	v6 =	vnsel vm2, $0x3F800000, v6;
	v8, _, _ =	vpop (xrf2)  }
0x61: {  	(erf) = vrcp.f32 v6;
	vm3 =	vgt.f32 v8, $0.0e+00  }
0x62: {  	v6 =	vnsel vm3, $0x3F800000, v8  }
0x63: {  	(erf) = vrcp.f32 v6;
	_ =	sdelay $0x6  }
0x64: {  	v6 =	vpop (erf)  }
0x65: {  	v5 =	vmul.f32 v6, v5  }
0x66: {  	v6 =	vpop (erf)  }
0x67: {  	v5 =	vnsel vm2, $0x0, v5;
	v6 =	vmul.f32 v6, v7  }
0x68: {  	(v2sf) =	vpush v5, $0xF  }
0x69: {  	v5 =	vnsel vm3, $0x0, v6  }
0x6a: {  	(v2sf) =	vpush v5, $0xF;
	_ =	sdelay $0x9  }
0x6b: {  	s22 =	sadd.s32 $0x1, s22  }
0x6c: {  	p0 =	sne.s32 s22, $0x100  }
.Ltmp6:
0x6d: {  	_ = 	snop;
	(pc) =	sbr.rel @!p0 .LBB2_23-.Ltmp6, $4  }
0x6e: {  	s0 =	spop (v2sf)  }
0x6f: {  	s0 =	sadd.f32 s0, s21  }
0x70: {  	s2 =	spop (v2sf)  }
0x71: {  	s21 =	sadd.f32 s2, s0  }
.LBB2_8:
0x72: {  	s0 =	sshll.u32 s22, $0x1  }
0x73: {  	v5 =	vld [tilespmem:s0+$0x0];
	_ =	sdelay $0x4  }
0x74: {  	(v2sf) =	vpush v5, $0x0;
	_ =	sdelay $0x7  }
0x75: {  	(v2sf) =	vpush v5, $0x1;
	_ =	sdelay $0x6  }
0x76: {  	s30 =	spop (v2sf)  }
0x77: {  	s2 =	sadd.s32 $0x2000, s23;
	p0 =	slt.s32 s30, s23;
	s29 =	sadd.s32 $0x40, s30  }
0x78: {  	p1 =	sle.s32 @!p0 s29, s2  }
0x79: {  	p0 =	por p0, !p1  }
.Ltmp7:
0x7a: {  	_ = 	snop;
	(pc) =	sbr.rel @!p0 .LBB2_10-.Ltmp7, $2  }
0x7b: {  	_ =	sdelay $0x2  }
0x7c: {  	s24 =	spop (v2sf)  }
0x7d: {  	s2 =	sand.u32 $0x7, s30  }
0x7e: {  	s11 =	sshra.s32 s30, $0x1F;
	p0 =	slt.s32 s30, $0x1;
	p1 =	sne.s32 s2, $0x0  }
0x7f: {  	s25 =	sshrl.u32 s11, $0x1D;
	p0 =	por !p0, !p1  }
0x80: {  	s11 =	simm.s32 $0x1;
	s2 =	sadd.s32 s25, s30;
	p0 =	por !p0, !p0  }
0x81: {  	s2 =	sshrl.u32 s2, $0x3;
	s11 =	simm.s32 @!p0 $0x0  }
0x82: {  	s2 =	ssub.s32 s2, s11  }
0x83: {  	s23 =	sshll.u32 s2, $0x3  }
0x84: {  	p0 =	slt.s32 s23, $0xC6000  }
0x85: {  	s23 =	simm.s32 @!p0 $0xC6000  }
0x86: {  	s26 =	sshrl.u32 s23, $0x3  }
0x87: {  	s28 =	sadd.s32 s1, s26  }
0x88: {  	[tilespmem:s16], [sflag:$0x1] =	stream.linear.gather [hbm4b:s28+s5], $0x2000, $0x38;
	[tilespmem:$0xA500] =	vst v63  }
0x89: {  	_ =	swait.ge [sflag:s12], $0x2000  }
0x8a: {  	[sflag:s12] =	ssyncset.done $0x0  }
0x8b: {  	s31 =	sadd.s32 s3, s26;
	[sflag:s12] =	ssyncadd.s32 $0xFFFFE000  }
0x8c: {  	[tilespmem:s17], [sflag:$0x1] =	stream.linear.gather [hbm4b:s31+s5], $0x2000, $0x38;
	[tilespmem:$0xA500] =	vst v63  }
0x8d: {  	_ =	swait.ge [sflag:s12], $0x2000  }
0x8e: {  	[sflag:s12] =	ssyncset.done $0x0  }
0x8f: {  	s2 =	sadd.s32 s4, s26;
	[sflag:s12] =	ssyncadd.s32 $0xFFFFE000  }
0x90: {  	[tilespmem:s18], [sflag:$0x1] =	stream.linear.gather [hbm4b:s2+s5], $0x2000, $0x38;
	[tilespmem:$0xA500] =	vst v63  }
0x91: {  	_ =	swait.ge [sflag:s12], $0x2000  }
0x92: {  	[sflag:s12] =	ssyncset.done $0x0  }
0x93: {  	s2 =	sadd.s32 $0x2000, s23;
	[sflag:s12] =	ssyncadd.s32 $0xFFFFE000  }
.LBB2_10:
0x94: {  	s11 =	ssub.s32 s30, s23  }
0x95: {  	v5 =	vld [tilespmem:s11+$0x42B0];
	_ =	sdelay $0x3  }
0x96: {  	v6 =	vld [tilespmem:s11+$0x4280]  }
0x97: {  	v7 =	vld [tilespmem:s11+$0x4290];
	(v2sf) =	vpush v5, $0xF  }
0x98: {  	v8 =	vld [tilespmem:s11+$0x42A0]  }
0x99: {  	v9 =	vld [tilespmem:s11+$0x6300]  }
0x9a: {  	v10 =	vld [tilespmem:s11+$0x6310]  }
0x9b: {  	v11 =	vld [tilespmem:s11+$0x6320]  }
0x9c: {  	v12 =	vld [tilespmem:s11+$0x6330]  }
0x9d: {  	v17 =	vld [tilespmem:s11+$0x8380]  }
0x9e: {  	v18 =	vld [tilespmem:s11+$0x8390]  }
0x9f: {  	p0 =	slt.s32 s24, s23;
	s26 =	sadd.s32 $0x40, s24;
	v19 =	vld [tilespmem:s11+$0x83A0]  }
0xa0: {  	s28 =	sor.u32 s6, s0;
	v20 =	vld [tilespmem:s11+$0x83B0];
	p1 =	sle.s32 @!p0 s26, s2  }
0xa1: {  	p0 =	por p0, !p1;
	vm2 =	veq.s32 v6, s28  }
.Ltmp8:
0xa2: {  	vm3 =	veq.s32 v7, s28;
	vm4 =	veq.s32 v8, s28;
	vm5 =	veq.s32 v5, s28;
	(pc) =	sbr.rel @!p0 .LBB2_12-.Ltmp8, $4  }
0xa3: {  	v9 =	vnsel vm2, $0xBF800000, v9;
	v10 =	vnsel vm3, $0xBF800000, v10;
	v11 =	vnsel vm4, $0xBF800000, v11  }
0xa4: {  	v12 =	vnsel vm5, $0xBF800000, v12;
	v13 =	vnsel vm2, $0x0, v17;
	v14 =	vnsel vm3, $0x0, v18  }
0xa5: {  	v15 =	vnsel vm4, $0x0, v19;
	v16 =	vnsel vm5, $0x0, v20;
	v5 =	vnsel vm2, $0xBF800000, v17  }
0xa6: {  	v6 =	vnsel vm3, $0xBF800000, v18;
	v7 =	vnsel vm4, $0xBF800000, v19;
	v8 =	vnsel vm5, $0xBF800000, v20;
	s31 =	spop (v2sf)  }
0xa7: {  	s0 =	sand.u32 $0x7, s24  }
0xa8: {  	s2 =	sshra.s32 s24, $0x1F;
	p0 =	slt.s32 s24, $0x1;
	p1 =	sne.s32 s0, $0x0  }
0xa9: {  	s11 =	sshrl.u32 s2, $0x1D;
	p0 =	por !p0, !p1  }
0xaa: {  	s2 =	simm.s32 $0x1;
	s0 =	sadd.s32 s11, s24;
	p0 =	por !p0, !p0  }
0xab: {  	s0 =	sshrl.u32 s0, $0x3;
	s2 =	simm.s32 @!p0 $0x0  }
0xac: {  	s0 =	ssub.s32 s0, s2  }
0xad: {  	s23 =	sshll.u32 s0, $0x3  }
0xae: {  	p0 =	slt.s32 s23, $0xC6000  }
0xaf: {  	s23 =	simm.s32 @!p0 $0xC6000  }
0xb0: {  	s13 =	sshrl.u32 s23, $0x3  }
0xb1: {  	s14 =	sadd.s32 s1, s13  }
0xb2: {  	[tilespmem:s16], [sflag:$0x1] =	stream.linear.gather [hbm4b:s14+s5], $0x2000, $0x38;
	[tilespmem:$0xA500] =	vst v63  }
0xb3: {  	_ =	swait.ge [sflag:s12], $0x2000  }
0xb4: {  	[sflag:s12] =	ssyncset.done $0x0  }
0xb5: {  	s25 =	sadd.s32 s3, s13;
	[sflag:s12] =	ssyncadd.s32 $0xFFFFE000  }
0xb6: {  	[tilespmem:s17], [sflag:$0x1] =	stream.linear.gather [hbm4b:s25+s5], $0x2000, $0x38;
	[tilespmem:$0xA500] =	vst v63  }
0xb7: {  	_ =	swait.ge [sflag:s12], $0x2000  }
0xb8: {  	[sflag:s12] =	ssyncset.done $0x0  }
0xb9: {  	s0 =	sadd.s32 s4, s13;
	[sflag:s12] =	ssyncadd.s32 $0xFFFFE000  }
0xba: {  	[tilespmem:s18], [sflag:$0x1] =	stream.linear.gather [hbm4b:s0+s5], $0x2000, $0x38;
	[tilespmem:$0xA500] =	vst v63  }
0xbb: {  	_ =	swait.ge [sflag:s12], $0x2000  }
0xbc: {  	[sflag:s12] =	ssyncset.done $0x0  }
0xbd: {  	[sflag:s12] =	ssyncadd.s32 $0xFFFFE000  }
.LBB2_12:
0xbe: {  	(xrf1) =	vsort.ascd.msk.f32 $0xffff, v9, v13  }
0xbf: {  	(xrf1) =	vsort.dscd.msk.f32 $0xffff, v10, v14  }
0xc0: {  	(xrf1) =	vsort.ascd.msk.f32 $0xffff, v11, v15  }
0xc1: {  	(xrf1) =	vsort.dscd.msk.f32 $0xffff, v12, v16;
	_ =	sdelay $0xa  }
0xc2: {  	v9, v10, _ =	vpop (xrf1)  }
0xc3: {  	v11, v46, _ =	vpop (xrf1)  }
0xc4: {  	v47, v48, _ =	vpop (xrf1)  }
0xc5: {  	vm2 =	vge.f32 v11, v9;
	v49, v16, _ =	vpop (xrf1)  }
0xc6: {  	v9 =	vsel vm2, v11, v9;
	v10 =	vsel vm2, v46, v10;
	vm2 =	vge.f32 v49, v47  }
0xc7: {  	(xrf1) =	vsort.ascd.msk.f32 $0xffff, v9, v10;
	v9 =	vsel vm2, v49, v47;
	v10 =	vsel vm2, v16, v48  }
0xc8: {  	(xrf1) =	vsort.dscd.msk.f32 $0xffff, v9, v10;
	_ =	sdelay $0xc  }
0xc9: {  	v9, v10, _ =	vpop (xrf1)  }
0xca: {  	v11, v50, _ =	vpop (xrf1)  }
0xcb: {  	vm2 =	vge.f32 v11, v9  }
0xcc: {  	v9 =	vsel vm2, v11, v9;
	v10 =	vsel vm2, v50, v10  }
0xcd: {  	(xrf1) =	vsort.dscd.msk.f32 $0xffff, v9, v10  }
0xce: {  	(xrf1) =	vsort.ascd.msk.f32 $0xffff, v5, v5  }
0xcf: {  	(xrf1) =	vsort.dscd.msk.f32 $0xffff, v6, v6  }
0xd0: {  	(xrf1) =	vsort.ascd.msk.f32 $0xffff, v7, v7  }
0xd1: {  	(xrf1) =	vsort.dscd.msk.f32 $0xffff, v8, v8;
	_ =	sdelay $0x9  }
0xd2: {  	v10, v5, _ =	vpop (xrf1)  }
0xd3: {  	v6, _, _ =	vpop (xrf1)  }
0xd4: {  	v7, _, _ =	vpop (xrf1)  }
0xd5: {  	v8, _, _ =	vpop (xrf1)  }
0xd6: {  	v6 =	vmax.f32 v7, v6;
	v9, _, _ =	vpop (xrf1)  }
0xd7: {  	(xrf1) =	vsort.ascd.msk.f32 $0xffff, v6, v6;
	v6 =	vmax.f32 v9, v8  }
0xd8: {  	(xrf1) =	vsort.dscd.msk.f32 $0xffff, v6, v6;
	_ =	sdelay $0x1  }
0xd9: {  	s0 =	ssub.s32 s24, s23  }
0xda: {  	v51 =	vld [tilespmem:s0+$0x6310]  }
0xdb: {  	v52 =	vld [tilespmem:s0+$0x6320]  }
0xdc: {  	v53 =	vld [tilespmem:s0+$0x6330]  }
0xdd: {  	v54 =	vld [tilespmem:s0+$0x8380]  }
0xde: {  	v55 =	vld [tilespmem:s0+$0x8390]  }
0xdf: {  	v17 =	vld [tilespmem:s0+$0x83A0]  }
0xe0: {  	v11 =	vld [tilespmem:s0+$0x6300]  }
0xe1: {  	v6 =	vld [tilespmem:s0+$0x4280]  }
0xe2: {  	v7 =	vld [tilespmem:s0+$0x4290]  }
0xe3: {  	v8 =	vld [tilespmem:s0+$0x42A0]  }
0xe4: {  	v9 =	vld [tilespmem:s0+$0x42B0];
	v18, _, _ =	vpop (xrf1)  }
0xe5: {  	s25 =	sor.u32 $0x1, s28;
	v19 =	vld [tilespmem:s0+$0x83B0];
	v20, _, _ =	vpop (xrf1)  }
0xe6: {  	vm2 =	veq.s32 v6, s25;
	v6 =	vmax.f32 v20, v18  }
0xe7: {  	vm3 =	veq.s32 v7, s25;
	v7 =	vnsel vm2, $0xBF800000, v11;
	v11 =	vnsel vm2, $0x0, v54;
	(xrf1) =	vsort.dscd.msk.f32 $0xffff, v6, v6  }
0xe8: {  	vm4 =	veq.s32 v8, s25;
	v8 =	vnsel vm3, $0x0, v55;
	v6 =	vnsel vm3, $0xBF800000, v51;
	(xrf1) =	vsort.ascd.msk.f32 $0xffff, v7, v11  }
0xe9: {  	vm5 =	veq.s32 v9, s25;
	v7 =	vnsel vm4, $0xBF800000, v52;
	v11 =	vnsel vm4, $0x0, v17;
	(xrf1) =	vsort.dscd.msk.f32 $0xffff, v6, v8  }
0xea: {  	v6 =	vnsel vm5, $0xBF800000, v53;
	v8 =	vnsel vm5, $0x0, v19;
	(xrf1) =	vsort.ascd.msk.f32 $0xffff, v7, v11  }
0xeb: {  	(xrf1) =	vsort.dscd.msk.f32 $0xffff, v6, v8;
	_ =	sdelay $0x9  }
0xec: {  	v6, _, _ =	vpop (xrf1)  }
0xed: {  	v7, v8, _ =	vpop (xrf1)  }
0xee: {  	v11, v56, _ =	vpop (xrf1)  }
0xef: {  	v57, v58, _ =	vpop (xrf1)  }
0xf0: {  	vm6 =	vge.f32 v11, v7;
	v18, v20, _ =	vpop (xrf1)  }
0xf1: {  	v7 =	vsel vm6, v11, v7;
	v8 =	vsel vm6, v56, v8;
	vm14 =	vge.f32 v18, v57  }
0xf2: {  	(xrf1) =	vsort.ascd.msk.f32 $0xffff, v7, v8;
	v7 =	vsel vm14, v18, v57;
	v8 =	vsel vm14, v20, v58  }
0xf3: {  	(xrf1) =	vsort.dscd.msk.f32 $0xffff, v7, v8;
	_ =	sdelay $0xc  }
0xf4: {  	v7, v8, _ =	vpop (xrf1)  }
0xf5: {  	v11, v59, _ =	vpop (xrf1)  }
0xf6: {  	vm15 =	vge.f32 v11, v7  }
0xf7: {  	v7 =	vsel vm15, v11, v7;
	v8 =	vsel vm15, v59, v8  }
0xf8: {  	v11 =	vnsel vm2, $0xBF800000, v54;
	(xrf1) =	vsort.dscd.msk.f32 $0xffff, v7, v8  }
0xf9: {  	v7 =	vnsel vm3, $0xBF800000, v55;
	(xrf1) =	vsort.ascd.msk.f32 $0xffff, v11, v11  }
0xfa: {  	v8 =	vnsel vm4, $0xBF800000, v17;
	(xrf1) =	vsort.dscd.msk.f32 $0xffff, v7, v7  }
0xfb: {  	v7 =	vnsel vm5, $0xBF800000, v19;
	(xrf1) =	vsort.ascd.msk.f32 $0xffff, v8, v8  }
0xfc: {  	(xrf1) =	vsort.dscd.msk.f32 $0xffff, v7, v7;
	_ =	sdelay $0x9  }
0xfd: {  	v8, v7, _ =	vpop (xrf1)  }
0xfe: {  	v11, _, _ =	vpop (xrf1)  }
0xff: {  	v60, _, _ =	vpop (xrf1)  }
0x100: {  	v61, _, _ =	vpop (xrf1)  }
0x101: {  	v11 =	vmax.f32 v60, v11;
	v62, _, _ =	vpop (xrf1)  }
0x102: {  	(xrf1) =	vsort.ascd.msk.f32 $0xffff, v11, v11;
	v11 =	vmax.f32 v62, v61  }
0x103: {  	(xrf1) =	vsort.dscd.msk.f32 $0xffff, v11, v11;
	_ =	sdelay $0xc  }
0x104: {  	v11, _, _ =	vpop (xrf1)  }
0x105: {  	v63, _, _ =	vpop (xrf1)  }
0x106: {  	(v2sf) =	vpush v9, $0xF;
	v9 =	vmax.f32 v63, v11  }
0x107: {  	(xrf1) =	vsort.dscd.msk.f32 $0xffff, v9, v9;
	_ =	sdelay $0x8  }
0x108: {  	p0 =	sne.s32 s31, s28  }
.Ltmp9:
0x109: {  	_ = 	snop;
	(pc) =	sbr.rel @p0 .LBB2_17-.Ltmp9, $2  }
0x10a: {  	_ =	sdelay $0x2  }
0x10b: {  	s31 =	spop (v2sf);
	v9, _, _ =	vpop (xrf1)  }
.Ltmp10:
0x10c: {  	(pc) =	sbr.rel .LBB2_14-.Ltmp10, $3  }
0x10d: {  	_ =	sdelay $0x1  }
0x10e: {  	s13 =	sand.u32 $0x7, s30;
	s30 =	sshll.u32 s30, $0x2;
	s2 =	simm.s32 $0x4280  }
0x10f: {  	v11 =	vmov s28;
	s0 =	simm.s32 $0x6300;
	s11 =	simm.s32 $0x8380;
	p0 =	sne.s32 s13, $0x0  }
.LBB2_16:
0x110: {  	s14 =	sshll.u32 s23, $0x2  }
0x111: {  	s14 =	ssub.s32 s30, s14  }
0x112: {  	s14 =	sshra.s32 s14, $0x2  }
0x113: {  	s29 =	sadd.s32 s14, s2  }
0x114: {  	v12 =	vld [tilespmem:s29+$0x40]  }
0x115: {  	v13 =	vld [tilespmem:s29+$0x50]  }
0x116: {  	v14 =	vld [tilespmem:s29+$0x60]  }
0x117: {  	v15 =	vld [tilespmem:s29+$0x70];
	s29 =	sadd.s32 s14, s0  }
0x118: {  	v16 =	vld [tilespmem:s29+$0x40]  }
0x119: {  	v17 =	vld [tilespmem:s29+$0x50]  }
0x11a: {  	v18 =	vld [tilespmem:s29+$0x60]  }
0x11b: {  	s14 =	sadd.s32 s14, s11;
	v19 =	vld [tilespmem:s29+$0x70]  }
0x11c: {  	v20 =	vld [tilespmem:s14+$0x40]  }
0x11d: {  	v21 =	vld [tilespmem:s14+$0x50]  }
0x11e: {  	v22 =	vld [tilespmem:s14+$0x60]  }
0x11f: {  	v23 =	vld [tilespmem:s14+$0x70]  }
0x120: {  	vm3 =	veq.s32 v12, v11  }
0x121: {  	vm2 =	veq.s32 v13, v11;
	v12 =	vnsel vm3, $0xBF800000, v16;
	v43 =	vnsel vm3, $0x0, v20  }
0x122: {  	vm4 =	veq.s32 v14, v11;
	v44 =	vnsel vm2, $0xBF800000, v17;
	v45 =	vnsel vm2, $0x0, v21;
	(xrf1) =	vsort.ascd.msk.f32 $0xffff, v12, v43  }
0x123: {  	vm5 =	veq.s32 v15, v11;
	v46 =	vnsel vm4, $0xBF800000, v18;
	v47 =	vnsel vm4, $0x0, v22;
	(xrf1) =	vsort.dscd.msk.f32 $0xffff, v44, v45  }
0x124: {  	v48 =	vnsel vm5, $0xBF800000, v19;
	v49 =	vnsel vm5, $0x0, v23;
	(xrf1) =	vsort.ascd.msk.f32 $0xffff, v46, v47  }
0x125: {  	(xrf1) =	vsort.dscd.msk.f32 $0xffff, v48, v49;
	_ =	sdelay $0xa  }
0x126: {  	v12, v13, _ =	vpop (xrf1)  }
0x127: {  	v14, v16, _ =	vpop (xrf1)  }
0x128: {  	v50, v51, _ =	vpop (xrf1)  }
0x129: {  	vm6 =	vge.f32 v14, v12;
	v52, v24, _ =	vpop (xrf1)  }
0x12a: {  	v12 =	vsel vm6, v14, v12;
	v13 =	vsel vm6, v16, v13;
	vm13 =	vge.f32 v52, v50  }
0x12b: {  	(xrf1) =	vsort.ascd.msk.f32 $0xffff, v12, v13;
	v53 =	vsel vm13, v52, v50;
	v54 =	vsel vm13, v24, v51  }
0x12c: {  	(xrf1) =	vsort.dscd.msk.f32 $0xffff, v53, v54;
	_ =	sdelay $0xc  }
0x12d: {  	v12, v13, _ =	vpop (xrf1)  }
0x12e: {  	v55, v56, _ =	vpop (xrf1)  }
0x12f: {  	vm14 =	vge.f32 v55, v12  }
0x130: {  	v12 =	vsel vm14, v55, v12;
	v13 =	vsel vm14, v56, v13  }
0x131: {  	(xrf1) =	vsort.ascd.msk.f32 $0xffff, v12, v13;
	_ =	sdelay $0xd  }
0x132: {  	v12, v13, _ =	vpop (xrf1)  }
0x133: {  	vm15 =	vge.f32 v10, v12  }
0x134: {  	v10 =	vsel vm15, v10, v12;
	v5 =	vsel vm15, v5, v13  }
0x135: {  	v57 =	vnsel vm3, $0xBF800000, v20;
	(xrf1) =	vsort.dscd.msk.f32 $0xffff, v10, v5  }
0x136: {  	v5 =	vnsel vm2, $0xBF800000, v21;
	(xrf1) =	vsort.ascd.msk.f32 $0xffff, v57, v57  }
0x137: {  	v10 =	vnsel vm4, $0xBF800000, v22;
	(xrf1) =	vsort.dscd.msk.f32 $0xffff, v5, v5  }
0x138: {  	v5 =	vnsel vm5, $0xBF800000, v23;
	(xrf1) =	vsort.ascd.msk.f32 $0xffff, v10, v10  }
0x139: {  	(xrf1) =	vsort.dscd.msk.f32 $0xffff, v5, v5;
	_ =	sdelay $0x9  }
0x13a: {  	v10, v5, _ =	vpop (xrf1)  }
0x13b: {  	v12, _, _ =	vpop (xrf1)  }
0x13c: {  	v58, _, _ =	vpop (xrf1)  }
0x13d: {  	v59, _, _ =	vpop (xrf1)  }
0x13e: {  	v12 =	vmax.f32 v58, v12;
	v60, _, _ =	vpop (xrf1)  }
0x13f: {  	(xrf1) =	vsort.ascd.msk.f32 $0xffff, v12, v12;
	v61 =	vmax.f32 v60, v59  }
0x140: {  	(xrf1) =	vsort.dscd.msk.f32 $0xffff, v61, v61;
	_ =	sdelay $0xc  }
0x141: {  	v62, _, _ =	vpop (xrf1)  }
0x142: {  	v63, _, _ =	vpop (xrf1)  }
0x143: {  	v12 =	vmax.f32 v63, v62  }
0x144: {  	(xrf1) =	vsort.ascd.msk.f32 $0xffff, v12, v12;
	_ =	sdelay $0x8  }
0x145: {  	(v2sf) =	vpush v15, $0xF;
	_ =	sdelay $0x4  }
0x146: {  	v12, _, _ =	vpop (xrf1)  }
0x147: {  	v6 =	vmax.f32 v6, v12  }
0x148: {  	(xrf1) =	vsort.dscd.msk.f32 $0xffff, v6, v6;
	_ =	sdelay $0x7  }
0x149: {  	s14 =	spop (v2sf)  }
0x14a: {  	p1 =	seq.s32 s14, s28  }
.Ltmp11:
0x14b: {  	_ = 	snop;
	(pc) =	sbr.rel @!p1 .LBB2_17-.Ltmp11, $3  }
0x14c: {  	_ =	sdelay $0x1  }
0x14d: {  	s2 =	sadd.s32 $0x40, s2  }
0x14e: {  	s0 =	sadd.s32 $0x40, s0;
	s11 =	sadd.s32 $0x40, s11;
	s29 =	smov.u32 s13;
	v6, _, _ =	vpop (xrf1)  }
.LBB2_14:
0x14f: {  	p1 =	slt.s32 s29, s23;
	s13 =	sadd.s32 $0x40, s29;
	s14 =	sadd.s32 $0x2000, s23  }
0x150: {  	p2 =	sle.s32 @!p1 s13, s14  }
0x151: {  	p1 =	por p1, !p2  }
.Ltmp12:
0x152: {  	_ = 	snop;
	(pc) =	sbr.rel @!p1 .LBB2_16-.Ltmp12, $1  }
0x153: {  	_ =	sdelay $0x3  }
0x154: {  	s14 =	sshra.s32 s29, $0x1F;
	p1 =	slt.s32 s29, $0x1  }
0x155: {  	s14 =	sshrl.u32 s14, $0x1D;
	p1 =	por !p1, !p0  }
0x156: {  	s23 =	simm.s32 $0x1;
	s14 =	sadd.s32 s14, s29;
	p1 =	por !p1, !p1  }
0x157: {  	s14 =	sshrl.u32 s14, $0x3;
	s23 =	simm.s32 @!p1 $0x0  }
0x158: {  	s14 =	ssub.s32 s14, s23  }
0x159: {  	s23 =	sshll.u32 s14, $0x3  }
0x15a: {  	p1 =	slt.s32 s23, $0xC6000  }
0x15b: {  	s23 =	simm.s32 @!p1 $0xC6000  }
0x15c: {  	s14 =	sshrl.u32 s23, $0x3  }
0x15d: {  	s29 =	sadd.s32 s1, s14  }
0x15e: {  	[tilespmem:s16], [sflag:$0x1] =	stream.linear.gather [hbm4b:s29+s5], $0x2000, $0x38;
	[tilespmem:$0xA500] =	vst v63  }
0x15f: {  	_ =	swait.ge [sflag:s12], $0x2000  }
0x160: {  	[sflag:s12] =	ssyncset.done $0x0  }
0x161: {  	s29 =	sadd.s32 s3, s14;
	[sflag:s12] =	ssyncadd.s32 $0xFFFFE000  }
0x162: {  	[tilespmem:s17], [sflag:$0x1] =	stream.linear.gather [hbm4b:s29+s5], $0x2000, $0x38;
	[tilespmem:$0xA500] =	vst v63  }
0x163: {  	_ =	swait.ge [sflag:s12], $0x2000  }
0x164: {  	[sflag:s12] =	ssyncset.done $0x0  }
.Ltmp13:
0x165: {  	s14 =	sadd.s32 s4, s14;
	[sflag:s12] =	ssyncadd.s32 $0xFFFFE000;
	(pc) =	sbr.rel .LBB2_16-.Ltmp13, $4  }
0x166: {  	[tilespmem:s18], [sflag:$0x1] =	stream.linear.gather [hbm4b:s14+s5], $0x2000, $0x38;
	[tilespmem:$0xA500] =	vst v63  }
0x167: {  	_ =	swait.ge [sflag:s12], $0x2000  }
0x168: {  	[sflag:s12] =	ssyncset.done $0x0  }
0x169: {  	[sflag:s12] =	ssyncadd.s32 $0xFFFFE000  }
.LBB2_17:
0x16a: {  	p0 =	sne.s32 s31, s25  }
.Ltmp14:
0x16b: {  	_ = 	snop;
	(pc) =	sbr.rel @p0 .LBB2_22-.Ltmp14, $1  }
0x16c: {  	_ =	sdelay $0x3  }
.Ltmp15:
0x16d: {  	(pc) =	sbr.rel .LBB2_19-.Ltmp15, $3  }
0x16e: {  	_ =	sdelay $0x1  }
0x16f: {  	s13 =	sand.u32 $0x7, s24;
	s24 =	sshll.u32 s24, $0x2;
	s2 =	simm.s32 $0x4280  }
0x170: {  	v10 =	vmov s25;
	s0 =	simm.s32 $0x6300;
	s11 =	simm.s32 $0x8380;
	p0 =	sne.s32 s13, $0x0  }
.LBB2_21:
0x171: {  	s14 =	sshll.u32 s23, $0x2  }
0x172: {  	s14 =	ssub.s32 s24, s14  }
0x173: {  	s14 =	sshra.s32 s14, $0x2  }
0x174: {  	s26 =	sadd.s32 s14, s2  }
0x175: {  	v11 =	vld [tilespmem:s26+$0x40]  }
0x176: {  	v12 =	vld [tilespmem:s26+$0x50]  }
0x177: {  	v13 =	vld [tilespmem:s26+$0x60]  }
0x178: {  	s30 =	sadd.s32 s14, s0;
	v14 =	vld [tilespmem:s26+$0x70]  }
0x179: {  	v15 =	vld [tilespmem:s30+$0x40]  }
0x17a: {  	v16 =	vld [tilespmem:s30+$0x50]  }
0x17b: {  	v17 =	vld [tilespmem:s30+$0x60]  }
0x17c: {  	s14 =	sadd.s32 s14, s11;
	v18 =	vld [tilespmem:s30+$0x70]  }
0x17d: {  	v19 =	vld [tilespmem:s14+$0x40]  }
0x17e: {  	v20 =	vld [tilespmem:s14+$0x50]  }
0x17f: {  	v21 =	vld [tilespmem:s14+$0x60]  }
0x180: {  	v22 =	vld [tilespmem:s14+$0x70]  }
0x181: {  	vm3 =	veq.s32 v11, v10  }
0x182: {  	vm2 =	veq.s32 v12, v10;
	v11 =	vnsel vm3, $0xBF800000, v15;
	v48 =	vnsel vm3, $0x0, v19  }
0x183: {  	vm4 =	veq.s32 v13, v10;
	v49 =	vnsel vm2, $0xBF800000, v16;
	v50 =	vnsel vm2, $0x0, v20;
	(xrf1) =	vsort.ascd.msk.f32 $0xffff, v11, v48  }
0x184: {  	vm5 =	veq.s32 v14, v10;
	v51 =	vnsel vm4, $0x0, v21;
	v11 =	vnsel vm4, $0xBF800000, v17;
	(xrf1) =	vsort.dscd.msk.f32 $0xffff, v49, v50  }
0x185: {  	v52 =	vnsel vm5, $0xBF800000, v18;
	v53 =	vnsel vm5, $0x0, v22;
	(xrf1) =	vsort.ascd.msk.f32 $0xffff, v11, v51  }
0x186: {  	(xrf1) =	vsort.dscd.msk.f32 $0xffff, v52, v53;
	_ =	sdelay $0xa  }
0x187: {  	v11, v12, _ =	vpop (xrf1)  }
0x188: {  	v13, v15, _ =	vpop (xrf1)  }
0x189: {  	v54, v55, _ =	vpop (xrf1)  }
0x18a: {  	vm6 =	vge.f32 v13, v11;
	v56, v23, _ =	vpop (xrf1)  }
0x18b: {  	v11 =	vsel vm6, v13, v11;
	v12 =	vsel vm6, v15, v12;
	vm13 =	vge.f32 v56, v54  }
0x18c: {  	(xrf1) =	vsort.ascd.msk.f32 $0xffff, v11, v12;
	v11 =	vsel vm13, v56, v54;
	v57 =	vsel vm13, v23, v55  }
0x18d: {  	(xrf1) =	vsort.dscd.msk.f32 $0xffff, v11, v57;
	_ =	sdelay $0xc  }
0x18e: {  	v11, v12, _ =	vpop (xrf1)  }
0x18f: {  	v58, v59, _ =	vpop (xrf1)  }
0x190: {  	vm14 =	vge.f32 v58, v11  }
0x191: {  	v11 =	vsel vm14, v58, v11;
	v12 =	vsel vm14, v59, v12  }
0x192: {  	(xrf1) =	vsort.ascd.msk.f32 $0xffff, v11, v12;
	_ =	sdelay $0xd  }
0x193: {  	v11, v12, _ =	vpop (xrf1)  }
0x194: {  	vm15 =	vge.f32 v8, v11  }
0x195: {  	v8 =	vsel vm15, v8, v11;
	v7 =	vsel vm15, v7, v12  }
0x196: {  	v11 =	vnsel vm3, $0xBF800000, v19;
	(xrf1) =	vsort.dscd.msk.f32 $0xffff, v8, v7  }
0x197: {  	v7 =	vnsel vm2, $0xBF800000, v20;
	(xrf1) =	vsort.ascd.msk.f32 $0xffff, v11, v11  }
0x198: {  	v8 =	vnsel vm4, $0xBF800000, v21;
	(xrf1) =	vsort.dscd.msk.f32 $0xffff, v7, v7  }
0x199: {  	v7 =	vnsel vm5, $0xBF800000, v22;
	(xrf1) =	vsort.ascd.msk.f32 $0xffff, v8, v8  }
0x19a: {  	(xrf1) =	vsort.dscd.msk.f32 $0xffff, v7, v7;
	_ =	sdelay $0x9  }
0x19b: {  	v8, v7, _ =	vpop (xrf1)  }
0x19c: {  	v11, _, _ =	vpop (xrf1)  }
0x19d: {  	v60, _, _ =	vpop (xrf1)  }
0x19e: {  	v61, _, _ =	vpop (xrf1)  }
0x19f: {  	v11 =	vmax.f32 v60, v11;
	v62, _, _ =	vpop (xrf1)  }
0x1a0: {  	(xrf1) =	vsort.ascd.msk.f32 $0xffff, v11, v11;
	v11 =	vmax.f32 v62, v61  }
0x1a1: {  	(xrf1) =	vsort.dscd.msk.f32 $0xffff, v11, v11;
	_ =	sdelay $0xc  }
0x1a2: {  	v11, _, _ =	vpop (xrf1)  }
0x1a3: {  	v63, _, _ =	vpop (xrf1)  }
0x1a4: {  	v11 =	vmax.f32 v63, v11  }
0x1a5: {  	(xrf1) =	vsort.ascd.msk.f32 $0xffff, v11, v11;
	_ =	sdelay $0x8  }
0x1a6: {  	(v2sf) =	vpush v14, $0xF;
	_ =	sdelay $0x4  }
0x1a7: {  	v11, _, _ =	vpop (xrf1)  }
0x1a8: {  	v9 =	vmax.f32 v9, v11  }
0x1a9: {  	(xrf1) =	vsort.dscd.msk.f32 $0xffff, v9, v9;
	_ =	sdelay $0x7  }
0x1aa: {  	s31 =	spop (v2sf)  }
0x1ab: {  	p1 =	seq.s32 s31, s25  }
.Ltmp16:
0x1ac: {  	_ = 	snop;
	(pc) =	sbr.rel @!p1 .LBB2_22-.Ltmp16, $3  }
0x1ad: {  	_ =	sdelay $0x1  }
0x1ae: {  	s2 =	sadd.s32 $0x40, s2  }
0x1af: {  	s0 =	sadd.s32 $0x40, s0;
	s11 =	sadd.s32 $0x40, s11;
	s26 =	smov.u32 s13;
	v9, _, _ =	vpop (xrf1)  }
.LBB2_19:
0x1b0: {  	p1 =	slt.s32 s26, s23;
	s13 =	sadd.s32 $0x40, s26;
	s14 =	sadd.s32 $0x2000, s23  }
0x1b1: {  	p2 =	sle.s32 @!p1 s13, s14  }
0x1b2: {  	p1 =	por p1, !p2  }
.Ltmp17:
0x1b3: {  	_ = 	snop;
	(pc) =	sbr.rel @!p1 .LBB2_21-.Ltmp17, $1  }
0x1b4: {  	_ =	sdelay $0x3  }
0x1b5: {  	s14 =	sshra.s32 s26, $0x1F;
	p1 =	slt.s32 s26, $0x1  }
0x1b6: {  	s14 =	sshrl.u32 s14, $0x1D;
	p1 =	por !p1, !p0  }
0x1b7: {  	s23 =	simm.s32 $0x1;
	s14 =	sadd.s32 s14, s26;
	p1 =	por !p1, !p1  }
0x1b8: {  	s14 =	sshrl.u32 s14, $0x3;
	s23 =	simm.s32 @!p1 $0x0  }
0x1b9: {  	s14 =	ssub.s32 s14, s23  }
0x1ba: {  	s23 =	sshll.u32 s14, $0x3  }
0x1bb: {  	p1 =	slt.s32 s23, $0xC6000  }
0x1bc: {  	s23 =	simm.s32 @!p1 $0xC6000  }
0x1bd: {  	s29 =	sshrl.u32 s23, $0x3  }
0x1be: {  	s30 =	sadd.s32 s1, s29  }
0x1bf: {  	[tilespmem:s16], [sflag:$0x1] =	stream.linear.gather [hbm4b:s30+s5], $0x2000, $0x38;
	[tilespmem:$0xA500] =	vst v63  }
0x1c0: {  	_ =	swait.ge [sflag:s12], $0x2000  }
0x1c1: {  	[sflag:s12] =	ssyncset.done $0x0  }
0x1c2: {  	s31 =	sadd.s32 s3, s29;
	[sflag:s12] =	ssyncadd.s32 $0xFFFFE000  }
0x1c3: {  	[tilespmem:s17], [sflag:$0x1] =	stream.linear.gather [hbm4b:s31+s5], $0x2000, $0x38;
	[tilespmem:$0xA500] =	vst v63  }
0x1c4: {  	_ =	swait.ge [sflag:s12], $0x2000  }
0x1c5: {  	[sflag:s12] =	ssyncset.done $0x0  }
.Ltmp18:
0x1c6: {  	s14 =	sadd.s32 s4, s29;
	[sflag:s12] =	ssyncadd.s32 $0xFFFFE000;
	(pc) =	sbr.rel .LBB2_21-.Ltmp18, $4  }
0x1c7: {  	[tilespmem:s18], [sflag:$0x1] =	stream.linear.gather [hbm4b:s14+s5], $0x2000, $0x38;
	[tilespmem:$0xA500] =	vst v63  }
0x1c8: {  	_ =	swait.ge [sflag:s12], $0x2000  }
0x1c9: {  	[sflag:s12] =	ssyncset.done $0x0  }
0x1ca: {  	[sflag:s12] =	ssyncadd.s32 $0xFFFFE000  }
.LBB2_24:
0x1cb: {  	_ =	sfence.sel $0x180000  }
0x1cc: {  	[bflag:$0x0] =	sbarrier.arrive $0xFFFF  }
0x1cd: {  	_ =	strace $0x9000004A  }
0x1ce: {  	s0 =	stileid.u32;
	[bflag:$0x2] =	sbarrier.arrive $0xFFFF  }
0x1cf: {  	p0 =	sne.s32 s0, $0x0;
	s0 =	rddreg [dreg:$0x4]  }
0x1d0: {  	s0 =	sadd.s32 @!p0 $0x100000, s0  }
0x1d1: {  	[sflag:s0] =	ssyncadd.tile.s32 @!p0 $0x1;
	_ =	shalt  }
.Lfunc_end2:
_tile_overlayer_lowered:
.L_overlay_start_2:
0x1d2: {  	(tag) =	ssettag $0x2  }
0x1d3: {  	s0 =	rddreg [dreg:$0x0];
	s2 =	stileid.u32  }
0x1d4: {  	s1 =	rddreg [dreg:$0x1];
	p0 =	sne.s32 s2, $0x0  }
0x1d5: {  	s3 =	rddreg [dreg:$0x2];
	[bflag:$0x3] =	sbarrier.arrive $0xFFFF;
	s2 =	simm.s32 @!p0 $0x1C01  }
0x1d6: {  	[timem:s3], [sflag:s2] =	dma.local @!p0 [hbm:s0], s1  }
0x1d7: {  	s0 =	simm.s32 @!p0 $0x1  }
0x1d8: {  	_ =	swait.ge @!p0 [sflag:s0], s1  }
0x1d9: {  	s1 =	ssub.s32 @!p0 $0x0, s1;
	[sflag:s0] =	ssyncset.done @!p0 $0x0  }
0x1da: {  	[sflag:s0] =	ssyncadd.s32 @!p0 s1  }
0x1db: {  	[bflag:$0x3] =	sbarrier.arrive $0xFFFF  }
0x1dc: {  	_ =	shalt  }

</sc_bundles>
